<compile_context>
chip_gen: v7x
topology: tpu7x:2x2x1
jax: 0.10.2.dev20260603
libtpu: 0.0.44.dev20260713+nightly
codegen_flags: <defaults>
</compile_context>

<pallas_src>
import functools

import jax
import jax.numpy as jnp
from jax import lax
from jax.experimental import pallas as pl
from jax.experimental.pallas import tpu as pltpu
from jax.experimental.pallas import tpu_sc as plsc

NC = 2
NS = 16
CH = 128


def _sc_mesh():
    return plsc.VectorSubcoreMesh(core_axis_name="c", subcore_axis_name="s")


def _segsum_cols(table, idxr, dstr, zrows, n_pad, w):
    nchunks = dstr.shape[0]
    cpt = nchunks // NS
    stripe = n_pad // NS

    @functools.partial(
        pl.kernel,
        out_type=jax.ShapeDtypeStruct((NC, n_pad, w), jnp.float32),
        mesh=_sc_mesh(),
        compiler_params=pltpu.CompilerParams(use_tc_tiling_on_sc=False),
        scratch_types=[
            pltpu.VMEM((cpt, CH), jnp.int32),
            pltpu.VMEM((cpt, CH), jnp.int32),
            pltpu.VMEM((CH, w), jnp.float32),
            pltpu.VMEM((CH, w), jnp.float32),
            pltpu.VMEM_SHARED((n_pad, w), jnp.float32),
            pltpu.SemaphoreType.DMA,
            pltpu.SemaphoreType.DMA,
        ],
    )
    def body(tab_hbm, idx_hbm, dst_hbm, zr_hbm,
             out_ss, idx_v, dst_v, bufa, bufb, accum, sema, semb):
        c = lax.axis_index("c")
        s = lax.axis_index("s")
        pltpu.sync_copy(zr_hbm, accum.at[pl.ds(s * stripe, stripe)])
        pltpu.sync_copy(idx_hbm.at[c, pl.ds(s * cpt, cpt)], idx_v)
        pltpu.sync_copy(dst_hbm.at[pl.ds(s * cpt, cpt)], dst_v)
        plsc.subcore_barrier()

        pltpu.async_copy(tab_hbm.at[idx_v.at[0]], bufa, sema)
        pltpu.async_copy(tab_hbm.at[idx_v.at[1]], bufb, semb)

        def main_body(jj, _):
            j0 = jj * 2
            j1 = j0 + 1
            pltpu.make_async_copy(tab_hbm.at[idx_v.at[j0]], bufa, sema).wait()
            pltpu.sync_copy(bufa, accum.at[dst_v.at[j0]], add=True)

            @pl.when(j0 + 2 < cpt)
            def _():
                pltpu.async_copy(tab_hbm.at[idx_v.at[j0 + 2]], bufa, sema)

            pltpu.make_async_copy(tab_hbm.at[idx_v.at[j1]], bufb, semb).wait()
            pltpu.sync_copy(bufb, accum.at[dst_v.at[j1]], add=True)

            @pl.when(j1 + 2 < cpt)
            def _():
                pltpu.async_copy(tab_hbm.at[idx_v.at[j1 + 2]], bufb, semb)

        lax.fori_loop(0, cpt // 2, main_body, None)

        plsc.subcore_barrier()
        pltpu.sync_copy(accum.at[pl.ds(s * stripe, stripe)],
                        out_ss.at[c, pl.ds(s * stripe, stripe)])

    return body(table, idxr, dstr, zrows)


def _segsum_aug(efr, dstr, zaug, n_pad, d_aug):
    nchunks = dstr.shape[0]
    cpw = nchunks // (NC * NS)
    stripe = n_pad // NS

    @functools.partial(
        pl.kernel,
        out_type=jax.ShapeDtypeStruct((NC, n_pad, d_aug), jnp.float32),
        mesh=_sc_mesh(),
        compiler_params=pltpu.CompilerParams(use_tc_tiling_on_sc=False),
        scratch_types=[
            pltpu.VMEM((cpw, CH), jnp.int32),
            pltpu.VMEM((CH, d_aug), jnp.float32),
            pltpu.VMEM((CH, d_aug), jnp.float32),
            pltpu.VMEM_SHARED((n_pad, d_aug), jnp.float32),
            pltpu.SemaphoreType.DMA,
            pltpu.SemaphoreType.DMA,
        ],
    )
    def body(ef_hbm, dst_hbm, za_hbm, out_aug,
             dst_v, bufa, bufb, aug_acc, sema, semb):
        c = lax.axis_index("c")
        s = lax.axis_index("s")
        wid = s * NC + c
        pltpu.sync_copy(za_hbm, aug_acc.at[pl.ds(s * stripe, stripe)])
        pltpu.sync_copy(dst_hbm.at[pl.ds(wid * cpw, cpw)], dst_v)
        plsc.subcore_barrier()

        pltpu.async_copy(ef_hbm.at[wid * cpw], bufa, sema)
        pltpu.async_copy(ef_hbm.at[wid * cpw + 1], bufb, semb)

        def main_body(jj, _):
            j0 = jj * 2
            j1 = j0 + 1
            pltpu.make_async_copy(ef_hbm.at[wid * cpw + j0], bufa, sema).wait()
            pltpu.sync_copy(bufa, aug_acc.at[dst_v.at[j0]], add=True)

            @pl.when(j0 + 2 < cpw)
            def _():
                pltpu.async_copy(ef_hbm.at[wid * cpw + j0 + 2], bufa, sema)

            pltpu.make_async_copy(ef_hbm.at[wid * cpw + j1], bufb, semb).wait()
            pltpu.sync_copy(bufb, aug_acc.at[dst_v.at[j1]], add=True)

            @pl.when(j1 + 2 < cpw)
            def _():
                pltpu.async_copy(ef_hbm.at[wid * cpw + j1 + 2], bufb, semb)

        lax.fori_loop(0, cpw // 2, main_body, None)

        plsc.subcore_barrier()
        pltpu.sync_copy(aug_acc.at[pl.ds(s * stripe, stripe)],
                        out_aug.at[c, pl.ds(s * stripe, stripe)])

    return body(efr, dstr, zaug)


def _l1_combine_kernel(nf_ref, ssa_ref, ssb_ref, aug_ref, wm_ref, bm_ref,
                       wa_ref, ba_ref, out_ref):
    nf = nf_ref[...]
    aug = aug_ref[0] + aug_ref[1]
    wm = wm_ref[...]
    d_in = nf.shape[1]
    q = d_in // 4
    cnt = aug[:, 16]
    sege = aug[:, :16]
    inv = 1.0 / jnp.maximum(cnt, 1.0)
    raw = (jnp.dot(ssa_ref[0], wm[:q], preferred_element_type=jnp.float32)
           + jnp.dot(ssa_ref[1], wm[q:2 * q],
                     preferred_element_type=jnp.float32)
           + jnp.dot(ssb_ref[0], wm[2 * q:3 * q],
                     preferred_element_type=jnp.float32)
           + jnp.dot(ssb_ref[1], wm[3 * q:4 * q],
                     preferred_element_type=jnp.float32)
           + jnp.dot(sege, wm[d_in:], preferred_element_type=jnp.float32)
           + cnt[:, None] * bm_ref[...])
    hn = raw * inv[:, None]
    wa = wa_ref[...]
    h1 = (jnp.dot(nf, wa[:d_in], preferred_element_type=jnp.float32)
          + jnp.dot(hn, wa[d_in:], preferred_element_type=jnp.float32)
          + ba_ref[...])
    out_ref[...] = jnp.maximum(h1, 0.0)


def _l2_combine_kernel(h1_ref, ss_ref, aug_ref, wm_ref, bm_ref, wa_ref,
                       ba_ref, out_ref):
    h1 = h1_ref[...]
    aug = aug_ref[0] + aug_ref[1]
    wm = wm_ref[...]
    dh = h1.shape[1]
    q = dh // 2
    cnt = aug[:, 16]
    sege = aug[:, :16]
    inv = 1.0 / jnp.maximum(cnt, 1.0)
    raw = (jnp.dot(ss_ref[0], wm[:q], preferred_element_type=jnp.float32)
           + jnp.dot(ss_ref[1], wm[q:dh], preferred_element_type=jnp.float32)
           + jnp.dot(sege, wm[dh:], preferred_element_type=jnp.float32)
           + cnt[:, None] * bm_ref[...])
    hn = raw * inv[:, None]
    wa = wa_ref[...]
    out = (jnp.dot(h1, wa[:dh], preferred_element_type=jnp.float32)
           + jnp.dot(hn, wa[dh:], preferred_element_type=jnp.float32)
           + ba_ref[...])
    out_ref[...] = jnp.maximum(out, 0.0)


def kernel(nfeats, efeats, edge_index, W_msg1, b_msg1, W_app1, b_app1,
           W_msg2, b_msg2, W_app2, b_app2):
    N, d_in = nfeats.shape
    E, d_edge = efeats.shape
    d_hid = W_app1.shape[1]
    d_out = W_app2.shape[1]
    d_aug = 32
    W = 64

    epad = -E % (NC * NS * CH)
    e_tot = E + epad
    n_pad = pl.cdiv(N + 1, NS * 8) * NS * 8

    src = edge_index[0].astype(jnp.int32)
    dst = edge_index[1].astype(jnp.int32)
    src = jnp.concatenate([src, jnp.zeros((epad,), jnp.int32)])
    dst = jnp.concatenate([dst, jnp.full((epad,), N, jnp.int32)])
    nchunks = e_tot // CH
    srcr = src.reshape(nchunks, CH)
    dstr = dst.reshape(nchunks, CH)
    src4 = srcr * 4
    src2 = srcr * 2
    nf_q = nfeats.reshape(N * (d_in // W), W)

    ef_aug = jnp.concatenate(
        [efeats, jnp.ones((E, 1), jnp.float32),
         jnp.zeros((E, d_aug - d_edge - 1), jnp.float32)], axis=1)
    efr = jnp.concatenate(
        [ef_aug, jnp.zeros((epad, d_aug), jnp.float32)]).reshape(
            nchunks, CH, d_aug)

    stripe = n_pad // NS
    zrows = jnp.zeros((stripe, W), jnp.float32)
    zaug = jnp.zeros((stripe, d_aug), jnp.float32)

    ss1a = _segsum_cols(nf_q, jnp.stack([src4, src4 + 1]), dstr, zrows,
                        n_pad, W)
    ss1b = _segsum_cols(nf_q, jnp.stack([src4 + 2, src4 + 3]), dstr, zrows,
                        n_pad, W)
    aug = _segsum_aug(efr, dstr, zaug, n_pad, d_aug)

    R = 1000
    grid = (N // R,)
    wspec = lambda shape: pl.BlockSpec(shape, lambda i: (0,) * len(shape))
    h1 = pl.pallas_call(
        _l1_combine_kernel,
        grid=grid,
        in_specs=[
            pl.BlockSpec((R, d_in), lambda i: (i, 0)),
            pl.BlockSpec((NC, R, W), lambda i: (0, i, 0)),
            pl.BlockSpec((NC, R, W), lambda i: (0, i, 0)),
            pl.BlockSpec((NC, R, d_aug), lambda i: (0, i, 0)),
            wspec((d_in + d_edge, d_hid)),
            wspec((1, d_hid)),
            wspec((d_in + d_hid, d_hid)),
            wspec((1, d_hid)),
        ],
        out_specs=pl.BlockSpec((R, d_hid), lambda i: (i, 0)),
        out_shape=jax.ShapeDtypeStruct((N, d_hid), jnp.float32),
    )(nfeats, ss1a[:, :N], ss1b[:, :N], aug[:, :N], W_msg1,
      b_msg1.reshape(1, -1), W_app1, b_app1.reshape(1, -1))

    h1_q = h1.reshape(N * (d_hid // W), W)
    ss2 = _segsum_cols(h1_q, jnp.stack([src2, src2 + 1]), dstr, zrows,
                       n_pad, W)

    out = pl.pallas_call(
        _l2_combine_kernel,
        grid=grid,
        in_specs=[
            pl.BlockSpec((R, d_hid), lambda i: (i, 0)),
            pl.BlockSpec((NC, R, W), lambda i: (0, i, 0)),
            pl.BlockSpec((NC, R, d_aug), lambda i: (0, i, 0)),
            wspec((d_hid + d_edge, d_out)),
            wspec((1, d_out)),
            wspec((d_hid + d_out, d_out)),
            wspec((1, d_out)),
        ],
        out_specs=pl.BlockSpec((R, d_out), lambda i: (i, 0)),
        out_shape=jax.ShapeDtypeStruct((N, d_out), jnp.float32),
    )(h1, ss2[:, :N], aug[:, :N], W_msg2, b_msg2.reshape(1, -1),
      W_app2, b_app2.reshape(1, -1))
    return out

# --- scband reference (transcript-rebuilt; emitter-appended) ---
"""Pipeline reference for scband-sage-52304111730953 (READ-ONLY COPY).

The authoritative reference and input builder live on the scoring server;
editing this copy changes nothing except your own understanding.
"""

import jax, jax.numpy as jnp
import numpy as np

N = 10000
E = 160000
D_IN = 256
D_EDGE = 16
D_HID = 128
D_OUT = 256


def setup_inputs(seed: int = 0) -> dict:
    key = jax.random.key(seed)
    ks = jax.random.split(key, 11)
    nfeats = jax.random.normal(ks[0], (N, D_IN), dtype=jnp.float32)
    efeats = jax.random.normal(ks[1], (E, D_EDGE), dtype=jnp.float32)
    edge_index = jax.random.randint(ks[2], (2, E), 0, N, dtype=jnp.int64) if jax.config.jax_enable_x64 else jax.random.randint(ks[2], (2, E), 0, N, dtype=jnp.int32)
    # layer 1 params
    W_msg1 = jax.random.normal(ks[3], (D_IN + D_EDGE, D_HID), dtype=jnp.float32) * 0.05
    b_msg1 = jnp.zeros((D_HID,), dtype=jnp.float32)
    W_app1 = jax.random.normal(ks[4], (D_IN + D_HID, D_HID), dtype=jnp.float32) * 0.05
    b_app1 = jnp.zeros((D_HID,), dtype=jnp.float32)
    # layer 2 params
    W_msg2 = jax.random.normal(ks[5], (D_HID + D_EDGE, D_OUT), dtype=jnp.float32) * 0.05
    b_msg2 = jnp.zeros((D_OUT,), dtype=jnp.float32)
    W_app2 = jax.random.normal(ks[6], (D_HID + D_OUT, D_OUT), dtype=jnp.float32) * 0.05
    b_app2 = jnp.zeros((D_OUT,), dtype=jnp.float32)
    return {
        "nfeats": nfeats,
        "efeats": efeats,
        "edge_index": edge_index,
        "W_msg1": W_msg1, "b_msg1": b_msg1,
        "W_app1": W_app1, "b_app1": b_app1,
        "W_msg2": W_msg2, "b_msg2": b_msg2,
        "W_app2": W_app2, "b_app2": b_app2,
    }


def _sage_layer(h, efeats, src, dst, W_msg, b_msg, W_app, b_app):
    # message: per-edge linear on [h_src, e_feat]
    msg_input = jnp.concatenate([h[src], efeats], axis=-1)
    m = msg_input @ W_msg + b_msg
    # mean aggregation over incoming edges per dst node (0 for zero-degree, like DGL fn.mean)
    summed = jax.ops.segment_sum(m, dst, num_segments=N)
    cnt = jax.ops.segment_sum(jnp.ones((m.shape[0],), dtype=h.dtype), dst, num_segments=N)
    h_neigh = summed / jnp.maximum(cnt, 1.0)[:, None]
    apply_input = jnp.concatenate([h, h_neigh], axis=-1)
    return jax.nn.relu(apply_input @ W_app + b_app)


def reference(nfeats, efeats, edge_index, W_msg1, b_msg1, W_app1, b_app1, W_msg2, b_msg2, W_app2, b_app2):
    src = edge_index[0]
    dst = edge_index[1]
    h = _sage_layer(nfeats, efeats, src, dst, W_msg1, b_msg1, W_app1, b_app1)
    # dropout with p=0.0 (eval) is identity
    h = _sage_layer(h, efeats, src, dst, W_msg2, b_msg2, W_app2, b_app2)
    return h

if __name__ == "__main__":
    import jax
    _d = setup_inputs()
    print(jax.jit(kernel)(*tuple(_d.values())))

</pallas_src>

<mosaic_0001>
#map = affine_map<(d0, d1) -> (0, 0)>
#map1 = affine_map<(d0, d1) -> (0, 0, 0)>
module attributes {stable_mosaic.version = 14 : i64} {
  func.func @body(%arg0: i32, %arg1: i32, %arg2: memref<40000x64xf32, #tpu.memory_space<hbm>>, %arg3: memref<2x1280x128xi32, #tpu.memory_space<hbm>>, %arg4: memref<1280x128xi32, #tpu.memory_space<hbm>>, %arg5: memref<632x64xf32, #tpu.memory_space<hbm>>, %arg6: memref<2x10112x64xf32, #tpu.memory_space<hbm>>, %arg7: memref<80x128xi32, #tpu.memory_space<vmem>>, %arg8: memref<80x128xi32, #tpu.memory_space<vmem>>, %arg9: memref<128x64xf32, #tpu.memory_space<vmem>>, %arg10: memref<128x64xf32, #tpu.memory_space<vmem>>, %arg11: memref<10112x64xf32, #tpu.memory_space<vmem_shared>>, %arg12: memref<!tpu.dma_semaphore, #tpu.memory_space<semaphore_mem>>, %arg13: memref<!tpu.dma_semaphore, #tpu.memory_space<semaphore_mem>>) attributes {dimension_semantics = [#tpu.dimension_semantics<core_parallel>, #tpu.dimension_semantics<subcore_parallel>], iteration_bounds = array<i64: 2, 16>, scalar_prefetch = 0 : i64, scratch_operands = 7 : i64, tpu.core_type = #tpu.core_type<sc_vector_subcore>, window_params = [{transform_indices = #map}, {transform_indices = #map1}, {transform_indices = #map}, {transform_indices = #map}, {transform_indices = #map1}]} {
    %mul3A = arith.constant 632 : i32
    %mul3A_0 = arith.muli %arg1, %mul3A : i32
    "tpu.region"() ({
      %run_scoped3A = tpu.sem_alloc : memref<!tpu.dma_semaphore, #tpu.memory_space<semaphore_mem>>
      %dma_start3A_27 = arith.constant 0 : i32
      %dma_start3A_28 = tpu.memref_slice %arg11[%mul3A_0, %dma_start3A_27] : memref<10112x64xf32, #tpu.memory_space<vmem_shared>> -> memref<632x64xf32, #tpu.memory_space<vmem_shared>>
      tpu.enqueue_dma source(%arg5 : memref<632x64xf32, #tpu.memory_space<hbm>>) target(%dma_start3A_28 : memref<632x64xf32, #tpu.memory_space<vmem_shared>>) target_semaphore(%run_scoped3A : memref<!tpu.dma_semaphore, #tpu.memory_space<semaphore_mem>>)
      %dma_wait3A = arith.constant 0 : i32
      %dma_wait3A_29 = tpu.memref_slice %arg11[%mul3A_0, %dma_wait3A] : memref<10112x64xf32, #tpu.memory_space<vmem_shared>> -> memref<632x64xf32, #tpu.memory_space<vmem_shared>>
      tpu.wait_dma2 semaphore(%run_scoped3A : memref<!tpu.dma_semaphore, #tpu.memory_space<semaphore_mem>>) src(%arg5 : memref<632x64xf32, #tpu.memory_space<hbm>>) dst(%dma_wait3A_29 : memref<632x64xf32, #tpu.memory_space<vmem_shared>>)
      tpu.yield
    }) : () -> ()
    %mul3A_1 = arith.constant 80 : i32
    %mul3A_2 = arith.muli %arg1, %mul3A_1 : i32
    "tpu.region"() ({
      %run_scoped3A = tpu.sem_alloc : memref<!tpu.dma_semaphore, #tpu.memory_space<semaphore_mem>>
      %dma_start3A_27 = arith.constant 0 : i32
      %dma_start3A_28 = tpu.memref_slice %arg3[%arg0, %mul3A_2, %dma_start3A_27] : memref<2x1280x128xi32, #tpu.memory_space<hbm>> -> memref<1x80x128xi32, #tpu.memory_space<hbm>>
      %dma_start3A_29 = tpu.memref_squeeze %dma_start3A_28 : memref<1x80x128xi32, #tpu.memory_space<hbm>> -> memref<80x128xi32, #tpu.memory_space<hbm>>
      %dma_start3A_30 = arith.constant 0 : i32
      %dma_start3A_31 = tpu.memref_slice %arg3[%arg0, %mul3A_2, %dma_start3A_30] : memref<2x1280x128xi32, #tpu.memory_space<hbm>> -> memref<1x80x128xi32, #tpu.memory_space<hbm>>
      %dma_start3A_32 = tpu.memref_squeeze %dma_start3A_31 : memref<1x80x128xi32, #tpu.memory_space<hbm>> -> memref<80x128xi32, #tpu.memory_space<hbm>>
      tpu.enqueue_dma source(%dma_start3A_32 : memref<80x128xi32, #tpu.memory_space<hbm>>) target(%arg7 : memref<80x128xi32, #tpu.memory_space<vmem>>) target_semaphore(%run_scoped3A : memref<!tpu.dma_semaphore, #tpu.memory_space<semaphore_mem>>)
      %dma_wait3A = arith.constant 0 : i32
      %dma_wait3A_33 = tpu.memref_slice %arg3[%arg0, %mul3A_2, %dma_wait3A] : memref<2x1280x128xi32, #tpu.memory_space<hbm>> -> memref<1x80x128xi32, #tpu.memory_space<hbm>>
      %dma_wait3A_34 = tpu.memref_squeeze %dma_wait3A_33 : memref<1x80x128xi32, #tpu.memory_space<hbm>> -> memref<80x128xi32, #tpu.memory_space<hbm>>
      %dma_wait3A_35 = arith.constant 0 : i32
      %dma_wait3A_36 = tpu.memref_slice %arg3[%arg0, %mul3A_2, %dma_wait3A_35] : memref<2x1280x128xi32, #tpu.memory_space<hbm>> -> memref<1x80x128xi32, #tpu.memory_space<hbm>>
      %dma_wait3A_37 = tpu.memref_squeeze %dma_wait3A_36 : memref<1x80x128xi32, #tpu.memory_space<hbm>> -> memref<80x128xi32, #tpu.memory_space<hbm>>
      tpu.wait_dma2 semaphore(%run_scoped3A : memref<!tpu.dma_semaphore, #tpu.memory_space<semaphore_mem>>) src(%dma_wait3A_37 : memref<80x128xi32, #tpu.memory_space<hbm>>) dst(%arg7 : memref<80x128xi32, #tpu.memory_space<vmem>>)
      tpu.yield
    }) : () -> ()
    %mul3A_3 = arith.constant 80 : i32
    %mul3A_4 = arith.muli %arg1, %mul3A_3 : i32
    "tpu.region"() ({
      %run_scoped3A = tpu.sem_alloc : memref<!tpu.dma_semaphore, #tpu.memory_space<semaphore_mem>>
      %dma_start3A_27 = arith.constant 0 : i32
      %dma_start3A_28 = tpu.memref_slice %arg4[%mul3A_4, %dma_start3A_27] : memref<1280x128xi32, #tpu.memory_space<hbm>> -> memref<80x128xi32, #tpu.memory_space<hbm>>
      %dma_start3A_29 = arith.constant 0 : i32
      %dma_start3A_30 = tpu.memref_slice %arg4[%mul3A_4, %dma_start3A_29] : memref<1280x128xi32, #tpu.memory_space<hbm>> -> memref<80x128xi32, #tpu.memory_space<hbm>>
      tpu.enqueue_dma source(%dma_start3A_30 : memref<80x128xi32, #tpu.memory_space<hbm>>) target(%arg8 : memref<80x128xi32, #tpu.memory_space<vmem>>) target_semaphore(%run_scoped3A : memref<!tpu.dma_semaphore, #tpu.memory_space<semaphore_mem>>)
      %dma_wait3A = arith.constant 0 : i32
      %dma_wait3A_31 = tpu.memref_slice %arg4[%mul3A_4, %dma_wait3A] : memref<1280x128xi32, #tpu.memory_space<hbm>> -> memref<80x128xi32, #tpu.memory_space<hbm>>
      %dma_wait3A_32 = arith.constant 0 : i32
      %dma_wait3A_33 = tpu.memref_slice %arg4[%mul3A_4, %dma_wait3A_32] : memref<1280x128xi32, #tpu.memory_space<hbm>> -> memref<80x128xi32, #tpu.memory_space<hbm>>
      tpu.wait_dma2 semaphore(%run_scoped3A : memref<!tpu.dma_semaphore, #tpu.memory_space<semaphore_mem>>) src(%dma_wait3A_33 : memref<80x128xi32, #tpu.memory_space<hbm>>) dst(%arg8 : memref<80x128xi32, #tpu.memory_space<vmem>>)
      tpu.yield
    }) : () -> ()
    %barrier3A = arith.constant 0 : index
    tpu.barrier barrier_id(%barrier3A)
    %dma_start3A = arith.constant 0 : i32
    %dma_start3A_5 = arith.constant 0 : i32
    %dma_start3A_6 = tpu.memref_slice %arg7[%dma_start3A, %dma_start3A_5] : memref<80x128xi32, #tpu.memory_space<vmem>> -> memref<1x128xi32, #tpu.memory_space<vmem>>
    %dma_start3A_7 = tpu.memref_squeeze %dma_start3A_6 : memref<1x128xi32, #tpu.memory_space<vmem>> -> memref<128xi32, #tpu.memory_space<vmem>>
    %dma_start3A_8 = arith.constant 0 : i32
    %dma_start3A_9 = arith.constant 0 : i32
    %dma_start3A_10 = tpu.memref_slice %arg2[%dma_start3A_8, %dma_start3A_9] : memref<40000x64xf32, #tpu.memory_space<hbm>> -> memref<40000x64xf32, #tpu.memory_space<hbm>>
    tpu.enqueue_indirect_dma source(%dma_start3A_10 : memref<40000x64xf32, #tpu.memory_space<hbm>>) target(%arg9 : memref<128x64xf32, #tpu.memory_space<vmem>>) offsets(%dma_start3A_7 : memref<128xi32, #tpu.memory_space<vmem>>) semaphore(%arg12 : memref<!tpu.dma_semaphore, #tpu.memory_space<semaphore_mem>>)
    %dma_start3A_11 = arith.constant 1 : i32
    %dma_start3A_12 = arith.constant 0 : i32
    %dma_start3A_13 = tpu.memref_slice %arg7[%dma_start3A_11, %dma_start3A_12] : memref<80x128xi32, #tpu.memory_space<vmem>> -> memref<1x128xi32, #tpu.memory_space<vmem>>
    %dma_start3A_14 = tpu.memref_squeeze %dma_start3A_13 : memref<1x128xi32, #tpu.memory_space<vmem>> -> memref<128xi32, #tpu.memory_space<vmem>>
    %dma_start3A_15 = arith.constant 0 : i32
    %dma_start3A_16 = arith.constant 0 : i32
    %dma_start3A_17 = tpu.memref_slice %arg2[%dma_start3A_15, %dma_start3A_16] : memref<40000x64xf32, #tpu.memory_space<hbm>> -> memref<40000x64xf32, #tpu.memory_space<hbm>>
    tpu.enqueue_indirect_dma source(%dma_start3A_17 : memref<40000x64xf32, #tpu.memory_space<hbm>>) target(%arg10 : memref<128x64xf32, #tpu.memory_space<vmem>>) offsets(%dma_start3A_14 : memref<128xi32, #tpu.memory_space<vmem>>) semaphore(%arg13 : memref<!tpu.dma_semaphore, #tpu.memory_space<semaphore_mem>>)
    %scan3A = arith.constant 0 : i32
    %scan3A_18 = arith.constant 40 : i32
    %scan3A_19 = arith.addi %scan3A, %scan3A_18 : i32
    %scan3A_20 = arith.constant 1 : i32
    scf.for %scan3A_27 = %scan3A to %scan3A_19 step %scan3A_20  : i32 {
      %mul3A_28 = arith.constant 2 : i32
      %mul3A_29 = arith.muli %scan3A_27, %mul3A_28 : i32
      %add3A = arith.constant 1 : i32
      %add3A_30 = arith.addi %mul3A_29, %add3A : i32
      %dma_wait3A = arith.constant 0 : i32
      %dma_wait3A_31 = tpu.memref_slice %arg7[%mul3A_29, %dma_wait3A] : memref<80x128xi32, #tpu.memory_space<vmem>> -> memref<1x128xi32, #tpu.memory_space<vmem>>
      %dma_wait3A_32 = tpu.memref_squeeze %dma_wait3A_31 : memref<1x128xi32, #tpu.memory_space<vmem>> -> memref<128xi32, #tpu.memory_space<vmem>>
      %dma_wait3A_33 = arith.constant 0 : i32
      %dma_wait3A_34 = arith.constant 0 : i32
      %dma_wait3A_35 = tpu.memref_slice %arg2[%dma_wait3A_33, %dma_wait3A_34] : memref<40000x64xf32, #tpu.memory_space<hbm>> -> memref<40000x64xf32, #tpu.memory_space<hbm>>
      tpu.wait_indirect_dma semaphore(%arg12 : memref<!tpu.dma_semaphore, #tpu.memory_space<semaphore_mem>>) src(%dma_wait3A_35 : memref<40000x64xf32, #tpu.memory_space<hbm>>) dst(%arg9 : memref<128x64xf32, #tpu.memory_space<vmem>>)
      "tpu.region"() ({
        %run_scoped3A = tpu.sem_alloc : memref<!tpu.dma_semaphore, #tpu.memory_space<semaphore_mem>>
        %dma_start3A_53 = arith.constant 0 : i32
        %dma_start3A_54 = tpu.memref_slice %arg8[%mul3A_29, %dma_start3A_53] : memref<80x128xi32, #tpu.memory_space<vmem>> -> memref<1x128xi32, #tpu.memory_space<vmem>>
        %dma_start3A_55 = tpu.memref_squeeze %dma_start3A_54 : memref<1x128xi32, #tpu.memory_space<vmem>> -> memref<128xi32, #tpu.memory_space<vmem>>
        %dma_start3A_56 = arith.constant 0 : i32
        %dma_start3A_57 = arith.constant 0 : i32
        %dma_start3A_58 = tpu.memref_slice %arg11[%dma_start3A_56, %dma_start3A_57] : memref<10112x64xf32, #tpu.memory_space<vmem_shared>> -> memref<10112x64xf32, #tpu.memory_space<vmem_shared>>
        tpu.enqueue_indirect_dma source(%arg9 : memref<128x64xf32, #tpu.memory_space<vmem>>) target(%dma_start3A_58 : memref<10112x64xf32, #tpu.memory_space<vmem_shared>>) offsets(%dma_start3A_55 : memref<128xi32, #tpu.memory_space<vmem>>) semaphore(%run_scoped3A : memref<!tpu.dma_semaphore, #tpu.memory_space<semaphore_mem>>) {add = true}
        %dma_wait3A_59 = arith.constant 0 : i32
        %dma_wait3A_60 = tpu.memref_slice %arg8[%mul3A_29, %dma_wait3A_59] : memref<80x128xi32, #tpu.memory_space<vmem>> -> memref<1x128xi32, #tpu.memory_space<vmem>>
        %dma_wait3A_61 = tpu.memref_squeeze %dma_wait3A_60 : memref<1x128xi32, #tpu.memory_space<vmem>> -> memref<128xi32, #tpu.memory_space<vmem>>
        %dma_wait3A_62 = arith.constant 0 : i32
        %dma_wait3A_63 = arith.constant 0 : i32
        %dma_wait3A_64 = tpu.memref_slice %arg11[%dma_wait3A_62, %dma_wait3A_63] : memref<10112x64xf32, #tpu.memory_space<vmem_shared>> -> memref<10112x64xf32, #tpu.memory_space<vmem_shared>>
        tpu.wait_indirect_dma semaphore(%run_scoped3A : memref<!tpu.dma_semaphore, #tpu.memory_space<semaphore_mem>>) src(%arg9 : memref<128x64xf32, #tpu.memory_space<vmem>>) dst(%dma_wait3A_64 : memref<10112x64xf32, #tpu.memory_space<vmem_shared>>)
        tpu.yield
      }) : () -> ()
      %add3A_36 = arith.constant 2 : i32
      %add3A_37 = arith.addi %mul3A_29, %add3A_36 : i32
      %lt3A = arith.constant 80 : i32
      %lt3A_38 = arith.cmpi slt, %add3A_37, %lt3A : i32
      %convert_element_type3A = arith.extui %lt3A_38 : i1 to i32
      %cond3A = arith.constant 0 : i32
      %cond3A_39 = arith.cmpi ne, %convert_element_type3A, %cond3A : i32
      scf.if %cond3A_39 {
        %add3A_53 = arith.constant 2 : i32
        %add3A_54 = arith.addi %mul3A_29, %add3A_53 : i32
        %dma_start3A_55 = arith.constant 0 : i32
        %dma_start3A_56 = tpu.memref_slice %arg7[%add3A_54, %dma_start3A_55] : memref<80x128xi32, #tpu.memory_space<vmem>> -> memref<1x128xi32, #tpu.memory_space<vmem>>
        %dma_start3A_57 = tpu.memref_squeeze %dma_start3A_56 : memref<1x128xi32, #tpu.memory_space<vmem>> -> memref<128xi32, #tpu.memory_space<vmem>>
        %dma_start3A_58 = arith.constant 0 : i32
        %dma_start3A_59 = arith.constant 0 : i32
        %dma_start3A_60 = tpu.memref_slice %arg2[%dma_start3A_58, %dma_start3A_59] : memref<40000x64xf32, #tpu.memory_space<hbm>> -> memref<40000x64xf32, #tpu.memory_space<hbm>>
        tpu.enqueue_indirect_dma source(%dma_start3A_60 : memref<40000x64xf32, #tpu.memory_space<hbm>>) target(%arg9 : memref<128x64xf32, #tpu.memory_space<vmem>>) offsets(%dma_start3A_57 : memref<128xi32, #tpu.memory_space<vmem>>) semaphore(%arg12 : memref<!tpu.dma_semaphore, #tpu.memory_space<semaphore_mem>>)
      } else {
      }
      %dma_wait3A_40 = arith.constant 0 : i32
      %dma_wait3A_41 = tpu.memref_slice %arg7[%add3A_30, %dma_wait3A_40] : memref<80x128xi32, #tpu.memory_space<vmem>> -> memref<1x128xi32, #tpu.memory_space<vmem>>
      %dma_wait3A_42 = tpu.memref_squeeze %dma_wait3A_41 : memref<1x128xi32, #tpu.memory_space<vmem>> -> memref<128xi32, #tpu.memory_space<vmem>>
      %dma_wait3A_43 = arith.constant 0 : i32
      %dma_wait3A_44 = arith.constant 0 : i32
      %dma_wait3A_45 = tpu.memref_slice %arg2[%dma_wait3A_43, %dma_wait3A_44] : memref<40000x64xf32, #tpu.memory_space<hbm>> -> memref<40000x64xf32, #tpu.memory_space<hbm>>
      tpu.wait_indirect_dma semaphore(%arg13 : memref<!tpu.dma_semaphore, #tpu.memory_space<semaphore_mem>>) src(%dma_wait3A_45 : memref<40000x64xf32, #tpu.memory_space<hbm>>) dst(%arg10 : memref<128x64xf32, #tpu.memory_space<vmem>>)
      "tpu.region"() ({
        %run_scoped3A = tpu.sem_alloc : memref<!tpu.dma_semaphore, #tpu.memory_space<semaphore_mem>>
        %dma_start3A_53 = arith.constant 0 : i32
        %dma_start3A_54 = tpu.memref_slice %arg8[%add3A_30, %dma_start3A_53] : memref<80x128xi32, #tpu.memory_space<vmem>> -> memref<1x128xi32, #tpu.memory_space<vmem>>
        %dma_start3A_55 = tpu.memref_squeeze %dma_start3A_54 : memref<1x128xi32, #tpu.memory_space<vmem>> -> memref<128xi32, #tpu.memory_space<vmem>>
        %dma_start3A_56 = arith.constant 0 : i32
        %dma_start3A_57 = arith.constant 0 : i32
        %dma_start3A_58 = tpu.memref_slice %arg11[%dma_start3A_56, %dma_start3A_57] : memref<10112x64xf32, #tpu.memory_space<vmem_shared>> -> memref<10112x64xf32, #tpu.memory_space<vmem_shared>>
        tpu.enqueue_indirect_dma source(%arg10 : memref<128x64xf32, #tpu.memory_space<vmem>>) target(%dma_start3A_58 : memref<10112x64xf32, #tpu.memory_space<vmem_shared>>) offsets(%dma_start3A_55 : memref<128xi32, #tpu.memory_space<vmem>>) semaphore(%run_scoped3A : memref<!tpu.dma_semaphore, #tpu.memory_space<semaphore_mem>>) {add = true}
        %dma_wait3A_59 = arith.constant 0 : i32
        %dma_wait3A_60 = tpu.memref_slice %arg8[%add3A_30, %dma_wait3A_59] : memref<80x128xi32, #tpu.memory_space<vmem>> -> memref<1x128xi32, #tpu.memory_space<vmem>>
        %dma_wait3A_61 = tpu.memref_squeeze %dma_wait3A_60 : memref<1x128xi32, #tpu.memory_space<vmem>> -> memref<128xi32, #tpu.memory_space<vmem>>
        %dma_wait3A_62 = arith.constant 0 : i32
        %dma_wait3A_63 = arith.constant 0 : i32
        %dma_wait3A_64 = tpu.memref_slice %arg11[%dma_wait3A_62, %dma_wait3A_63] : memref<10112x64xf32, #tpu.memory_space<vmem_shared>> -> memref<10112x64xf32, #tpu.memory_space<vmem_shared>>
        tpu.wait_indirect_dma semaphore(%run_scoped3A : memref<!tpu.dma_semaphore, #tpu.memory_space<semaphore_mem>>) src(%arg10 : memref<128x64xf32, #tpu.memory_space<vmem>>) dst(%dma_wait3A_64 : memref<10112x64xf32, #tpu.memory_space<vmem_shared>>)
        tpu.yield
      }) : () -> ()
      %add3A_46 = arith.constant 2 : i32
      %add3A_47 = arith.addi %add3A_30, %add3A_46 : i32
      %lt3A_48 = arith.constant 80 : i32
      %lt3A_49 = arith.cmpi slt, %add3A_47, %lt3A_48 : i32
      %convert_element_type3A_50 = arith.extui %lt3A_49 : i1 to i32
      %cond3A_51 = arith.constant 0 : i32
      %cond3A_52 = arith.cmpi ne, %convert_element_type3A_50, %cond3A_51 : i32
      scf.if %cond3A_52 {
        %add3A_53 = arith.constant 2 : i32
        %add3A_54 = arith.addi %add3A_30, %add3A_53 : i32
        %dma_start3A_55 = arith.constant 0 : i32
        %dma_start3A_56 = tpu.memref_slice %arg7[%add3A_54, %dma_start3A_55] : memref<80x128xi32, #tpu.memory_space<vmem>> -> memref<1x128xi32, #tpu.memory_space<vmem>>
        %dma_start3A_57 = tpu.memref_squeeze %dma_start3A_56 : memref<1x128xi32, #tpu.memory_space<vmem>> -> memref<128xi32, #tpu.memory_space<vmem>>
        %dma_start3A_58 = arith.constant 0 : i32
        %dma_start3A_59 = arith.constant 0 : i32
        %dma_start3A_60 = tpu.memref_slice %arg2[%dma_start3A_58, %dma_start3A_59] : memref<40000x64xf32, #tpu.memory_space<hbm>> -> memref<40000x64xf32, #tpu.memory_space<hbm>>
        tpu.enqueue_indirect_dma source(%dma_start3A_60 : memref<40000x64xf32, #tpu.memory_space<hbm>>) target(%arg10 : memref<128x64xf32, #tpu.memory_space<vmem>>) offsets(%dma_start3A_57 : memref<128xi32, #tpu.memory_space<vmem>>) semaphore(%arg13 : memref<!tpu.dma_semaphore, #tpu.memory_space<semaphore_mem>>)
      } else {
      }
    }
    %scan3A_21 = arith.constant 40 : i32
    %barrier3A_22 = arith.constant 0 : index
    tpu.barrier barrier_id(%barrier3A_22)
    %mul3A_23 = arith.constant 632 : i32
    %mul3A_24 = arith.muli %arg1, %mul3A_23 : i32
    %mul3A_25 = arith.constant 632 : i32
    %mul3A_26 = arith.muli %arg1, %mul3A_25 : i32
    "tpu.region"() ({
      %run_scoped3A = tpu.sem_alloc : memref<!tpu.dma_semaphore, #tpu.memory_space<semaphore_mem>>
      %dma_start3A_27 = arith.constant 0 : i32
      %dma_start3A_28 = tpu.memref_slice %arg6[%arg0, %mul3A_26, %dma_start3A_27] : memref<2x10112x64xf32, #tpu.memory_space<hbm>> -> memref<1x632x64xf32, #tpu.memory_space<hbm>>
      %dma_start3A_29 = tpu.memref_squeeze %dma_start3A_28 : memref<1x632x64xf32, #tpu.memory_space<hbm>> -> memref<632x64xf32, #tpu.memory_space<hbm>>
      %dma_start3A_30 = arith.constant 0 : i32
      %dma_start3A_31 = tpu.memref_slice %arg11[%mul3A_24, %dma_start3A_30] : memref<10112x64xf32, #tpu.memory_space<vmem_shared>> -> memref<632x64xf32, #tpu.memory_space<vmem_shared>>
      tpu.enqueue_dma source(%dma_start3A_31 : memref<632x64xf32, #tpu.memory_space<vmem_shared>>) target(%dma_start3A_29 : memref<632x64xf32, #tpu.memory_space<hbm>>) target_semaphore(%run_scoped3A : memref<!tpu.dma_semaphore, #tpu.memory_space<semaphore_mem>>)
      %dma_wait3A = arith.constant 0 : i32
      %dma_wait3A_32 = tpu.memref_slice %arg6[%arg0, %mul3A_26, %dma_wait3A] : memref<2x10112x64xf32, #tpu.memory_space<hbm>> -> memref<1x632x64xf32, #tpu.memory_space<hbm>>
      %dma_wait3A_33 = tpu.memref_squeeze %dma_wait3A_32 : memref<1x632x64xf32, #tpu.memory_space<hbm>> -> memref<632x64xf32, #tpu.memory_space<hbm>>
      %dma_wait3A_34 = arith.constant 0 : i32
      %dma_wait3A_35 = tpu.memref_slice %arg11[%mul3A_24, %dma_wait3A_34] : memref<10112x64xf32, #tpu.memory_space<vmem_shared>> -> memref<632x64xf32, #tpu.memory_space<vmem_shared>>
      tpu.wait_dma2 semaphore(%run_scoped3A : memref<!tpu.dma_semaphore, #tpu.memory_space<semaphore_mem>>) src(%dma_wait3A_35 : memref<632x64xf32, #tpu.memory_space<vmem_shared>>) dst(%dma_wait3A_33 : memref<632x64xf32, #tpu.memory_space<hbm>>)
      tpu.yield
    }) : () -> ()
    return
  }
}

#map = affine_map<(d0, d1) -> (0, 0)>
#map1 = affine_map<(d0, d1) -> (0, 0, 0)>
module attributes {stable_mosaic.version = 14 : i64} {
  func.func @body(%arg0: i32, %arg1: i32, %arg2: memref<40000x64xf32, #tpu.memory_space<hbm>>, %arg3: memref<2x1280x128xi32, #tpu.memory_space<hbm>>, %arg4: memref<1280x128xi32, #tpu.memory_space<hbm>>, %arg5: memref<632x64xf32, #tpu.memory_space<hbm>>, %arg6: memref<2x10112x64xf32, #tpu.memory_space<hbm>>, %arg7: memref<80x128xi32, #tpu.memory_space<vmem>>, %arg8: memref<80x128xi32, #tpu.memory_space<vmem>>, %arg9: memref<128x64xf32, #tpu.memory_space<vmem>>, %arg10: memref<128x64xf32, #tpu.memory_space<vmem>>, %arg11: memref<10112x64xf32, #tpu.memory_space<vmem_shared>>, %arg12: memref<!tpu.dma_semaphore, #tpu.memory_space<semaphore_mem>>, %arg13: memref<!tpu.dma_semaphore, #tpu.memory_space<semaphore_mem>>) attributes {dimension_semantics = [#tpu.dimension_semantics<core_parallel>, #tpu.dimension_semantics<subcore_parallel>], iteration_bounds = array<i64: 2, 16>, scalar_prefetch = 0 : i64, scratch_operands = 7 : i64, tpu.core_type = #tpu.core_type<sc_vector_subcore>, window_params = [{transform_indices = #map}, {transform_indices = #map1}, {transform_indices = #map}, {transform_indices = #map}, {transform_indices = #map1}]} {
    %mul3A = arith.constant 632 : i32
    %mul3A_0 = arith.muli %arg1, %mul3A : i32
    "tpu.region"() ({
      %run_scoped3A = tpu.sem_alloc : memref<!tpu.dma_semaphore, #tpu.memory_space<semaphore_mem>>
      %dma_start3A_27 = arith.constant 0 : i32
      %dma_start3A_28 = tpu.memref_slice %arg11[%mul3A_0, %dma_start3A_27] : memref<10112x64xf32, #tpu.memory_space<vmem_shared>> -> memref<632x64xf32, #tpu.memory_space<vmem_shared>>
      tpu.enqueue_dma source(%arg5 : memref<632x64xf32, #tpu.memory_space<hbm>>) target(%dma_start3A_28 : memref<632x64xf32, #tpu.memory_space<vmem_shared>>) target_semaphore(%run_scoped3A : memref<!tpu.dma_semaphore, #tpu.memory_space<semaphore_mem>>)
      %dma_wait3A = arith.constant 0 : i32
      %dma_wait3A_29 = tpu.memref_slice %arg11[%mul3A_0, %dma_wait3A] : memref<10112x64xf32, #tpu.memory_space<vmem_shared>> -> memref<632x64xf32, #tpu.memory_space<vmem_shared>>
      tpu.wait_dma2 semaphore(%run_scoped3A : memref<!tpu.dma_semaphore, #tpu.memory_space<semaphore_mem>>) src(%arg5 : memref<632x64xf32, #tpu.memory_space<hbm>>) dst(%dma_wait3A_29 : memref<632x64xf32, #tpu.memory_space<vmem_shared>>)
      tpu.yield
    }) : () -> ()
    %mul3A_1 = arith.constant 80 : i32
    %mul3A_2 = arith.muli %arg1, %mul3A_1 : i32
    "tpu.region"() ({
      %run_scoped3A = tpu.sem_alloc : memref<!tpu.dma_semaphore, #tpu.memory_space<semaphore_mem>>
      %dma_start3A_27 = arith.constant 0 : i32
      %dma_start3A_28 = tpu.memref_slice %arg3[%arg0, %mul3A_2, %dma_start3A_27] : memref<2x1280x128xi32, #tpu.memory_space<hbm>> -> memref<1x80x128xi32, #tpu.memory_space<hbm>>
      %dma_start3A_29 = tpu.memref_squeeze %dma_start3A_28 : memref<1x80x128xi32, #tpu.memory_space<hbm>> -> memref<80x128xi32, #tpu.memory_space<hbm>>
      %dma_start3A_30 = arith.constant 0 : i32
      %dma_start3A_31 = tpu.memref_slice %arg3[%arg0, %mul3A_2, %dma_start3A_30] : memref<2x1280x128xi32, #tpu.memory_space<hbm>> -> memref<1x80x128xi32, #tpu.memory_space<hbm>>
      %dma_start3A_32 = tpu.memref_squeeze %dma_start3A_31 : memref<1x80x128xi32, #tpu.memory_space<hbm>> -> memref<80x128xi32, #tpu.memory_space<hbm>>
      tpu.enqueue_dma source(%dma_start3A_32 : memref<80x128xi32, #tpu.memory_space<hbm>>) target(%arg7 : memref<80x128xi32, #tpu.memory_space<vmem>>) target_semaphore(%run_scoped3A : memref<!tpu.dma_semaphore, #tpu.memory_space<semaphore_mem>>)
      %dma_wait3A = arith.constant 0 : i32
      %dma_wait3A_33 = tpu.memref_slice %arg3[%arg0, %mul3A_2, %dma_wait3A] : memref<2x1280x128xi32, #tpu.memory_space<hbm>> -> memref<1x80x128xi32, #tpu.memory_space<hbm>>
      %dma_wait3A_34 = tpu.memref_squeeze %dma_wait3A_33 : memref<1x80x128xi32, #tpu.memory_space<hbm>> -> memref<80x128xi32, #tpu.memory_space<hbm>>
      %dma_wait3A_35 = arith.constant 0 : i32
      %dma_wait3A_36 = tpu.memref_slice %arg3[%arg0, %mul3A_2, %dma_wait3A_35] : memref<2x1280x128xi32, #tpu.memory_space<hbm>> -> memref<1x80x128xi32, #tpu.memory_space<hbm>>
      %dma_wait3A_37 = tpu.memref_squeeze %dma_wait3A_36 : memref<1x80x128xi32, #tpu.memory_space<hbm>> -> memref<80x128xi32, #tpu.memory_space<hbm>>
      tpu.wait_dma2 semaphore(%run_scoped3A : memref<!tpu.dma_semaphore, #tpu.memory_space<semaphore_mem>>) src(%dma_wait3A_37 : memref<80x128xi32, #tpu.memory_space<hbm>>) dst(%arg7 : memref<80x128xi32, #tpu.memory_space<vmem>>)
      tpu.yield
    }) : () -> ()
    %mul3A_3 = arith.constant 80 : i32
    %mul3A_4 = arith.muli %arg1, %mul3A_3 : i32
    "tpu.region"() ({
      %run_scoped3A = tpu.sem_alloc : memref<!tpu.dma_semaphore, #tpu.memory_space<semaphore_mem>>
      %dma_start3A_27 = arith.constant 0 : i32
      %dma_start3A_28 = tpu.memref_slice %arg4[%mul3A_4, %dma_start3A_27] : memref<1280x128xi32, #tpu.memory_space<hbm>> -> memref<80x128xi32, #tpu.memory_space<hbm>>
      %dma_start3A_29 = arith.constant 0 : i32
      %dma_start3A_30 = tpu.memref_slice %arg4[%mul3A_4, %dma_start3A_29] : memref<1280x128xi32, #tpu.memory_space<hbm>> -> memref<80x128xi32, #tpu.memory_space<hbm>>
      tpu.enqueue_dma source(%dma_start3A_30 : memref<80x128xi32, #tpu.memory_space<hbm>>) target(%arg8 : memref<80x128xi32, #tpu.memory_space<vmem>>) target_semaphore(%run_scoped3A : memref<!tpu.dma_semaphore, #tpu.memory_space<semaphore_mem>>)
      %dma_wait3A = arith.constant 0 : i32
      %dma_wait3A_31 = tpu.memref_slice %arg4[%mul3A_4, %dma_wait3A] : memref<1280x128xi32, #tpu.memory_space<hbm>> -> memref<80x128xi32, #tpu.memory_space<hbm>>
      %dma_wait3A_32 = arith.constant 0 : i32
      %dma_wait3A_33 = tpu.memref_slice %arg4[%mul3A_4, %dma_wait3A_32] : memref<1280x128xi32, #tpu.memory_space<hbm>> -> memref<80x128xi32, #tpu.memory_space<hbm>>
      tpu.wait_dma2 semaphore(%run_scoped3A : memref<!tpu.dma_semaphore, #tpu.memory_space<semaphore_mem>>) src(%dma_wait3A_33 : memref<80x128xi32, #tpu.memory_space<hbm>>) dst(%arg8 : memref<80x128xi32, #tpu.memory_space<vmem>>)
      tpu.yield
    }) : () -> ()
    %barrier3A = arith.constant 0 : index
    tpu.barrier barrier_id(%barrier3A)
    %dma_start3A = arith.constant 0 : i32
    %dma_start3A_5 = arith.constant 0 : i32
    %dma_start3A_6 = tpu.memref_slice %arg7[%dma_start3A, %dma_start3A_5] : memref<80x128xi32, #tpu.memory_space<vmem>> -> memref<1x128xi32, #tpu.memory_space<vmem>>
    %dma_start3A_7 = tpu.memref_squeeze %dma_start3A_6 : memref<1x128xi32, #tpu.memory_space<vmem>> -> memref<128xi32, #tpu.memory_space<vmem>>
    %dma_start3A_8 = arith.constant 0 : i32
    %dma_start3A_9 = arith.constant 0 : i32
    %dma_start3A_10 = tpu.memref_slice %arg2[%dma_start3A_8, %dma_start3A_9] : memref<40000x64xf32, #tpu.memory_space<hbm>> -> memref<40000x64xf32, #tpu.memory_space<hbm>>
    tpu.enqueue_indirect_dma source(%dma_start3A_10 : memref<40000x64xf32, #tpu.memory_space<hbm>>) target(%arg9 : memref<128x64xf32, #tpu.memory_space<vmem>>) offsets(%dma_start3A_7 : memref<128xi32, #tpu.memory_space<vmem>>) semaphore(%arg12 : memref<!tpu.dma_semaphore, #tpu.memory_space<semaphore_mem>>)
    %dma_start3A_11 = arith.constant 1 : i32
    %dma_start3A_12 = arith.constant 0 : i32
    %dma_start3A_13 = tpu.memref_slice %arg7[%dma_start3A_11, %dma_start3A_12] : memref<80x128xi32, #tpu.memory_space<vmem>> -> memref<1x128xi32, #tpu.memory_space<vmem>>
    %dma_start3A_14 = tpu.memref_squeeze %dma_start3A_13 : memref<1x128xi32, #tpu.memory_space<vmem>> -> memref<128xi32, #tpu.memory_space<vmem>>
    %dma_start3A_15 = arith.constant 0 : i32
    %dma_start3A_16 = arith.constant 0 : i32
    %dma_start3A_17 = tpu.memref_slice %arg2[%dma_start3A_15, %dma_start3A_16] : memref<40000x64xf32, #tpu.memory_space<hbm>> -> memref<40000x64xf32, #tpu.memory_space<hbm>>
    tpu.enqueue_indirect_dma source(%dma_start3A_17 : memref<40000x64xf32, #tpu.memory_space<hbm>>) target(%arg10 : memref<128x64xf32, #tpu.memory_space<vmem>>) offsets(%dma_start3A_14 : memref<128xi32, #tpu.memory_space<vmem>>) semaphore(%arg13 : memref<!tpu.dma_semaphore, #tpu.memory_space<semaphore_mem>>)
    %scan3A = arith.constant 0 : i32
    %scan3A_18 = arith.constant 40 : i32
    %scan3A_19 = arith.addi %scan3A, %scan3A_18 : i32
    %scan3A_20 = arith.constant 1 : i32
    scf.for %scan3A_27 = %scan3A to %scan3A_19 step %scan3A_20  : i32 {
      %mul3A_28 = arith.constant 2 : i32
      %mul3A_29 = arith.muli %scan3A_27, %mul3A_28 : i32
      %add3A = arith.constant 1 : i32
      %add3A_30 = arith.addi %mul3A_29, %add3A : i32
      %dma_wait3A = arith.constant 0 : i32
      %dma_wait3A_31 = tpu.memref_slice %arg7[%mul3A_29, %dma_wait3A] : memref<80x128xi32, #tpu.memory_space<vmem>> -> memref<1x128xi32, #tpu.memory_space<vmem>>
      %dma_wait3A_32 = tpu.memref_squeeze %dma_wait3A_31 : memref<1x128xi32, #tpu.memory_space<vmem>> -> memref<128xi32, #tpu.memory_space<vmem>>
      %dma_wait3A_33 = arith.constant 0 : i32
      %dma_wait3A_34 = arith.constant 0 : i32
      %dma_wait3A_35 = tpu.memref_slice %arg2[%dma_wait3A_33, %dma_wait3A_34] : memref<40000x64xf32, #tpu.memory_space<hbm>> -> memref<40000x64xf32, #tpu.memory_space<hbm>>
      tpu.wait_indirect_dma semaphore(%arg12 : memref<!tpu.dma_semaphore, #tpu.memory_space<semaphore_mem>>) src(%dma_wait3A_35 : memref<40000x64xf32, #tpu.memory_space<hbm>>) dst(%arg9 : memref<128x64xf32, #tpu.memory_space<vmem>>)
      "tpu.region"() ({
        %run_scoped3A = tpu.sem_alloc : memref<!tpu.dma_semaphore, #tpu.memory_space<semaphore_mem>>
        %dma_start3A_53 = arith.constant 0 : i32
        %dma_start3A_54 = tpu.memref_slice %arg8[%mul3A_29, %dma_start3A_53] : memref<80x128xi32, #tpu.memory_space<vmem>> -> memref<1x128xi32, #tpu.memory_space<vmem>>
        %dma_start3A_55 = tpu.memref_squeeze %dma_start3A_54 : memref<1x128xi32, #tpu.memory_space<vmem>> -> memref<128xi32, #tpu.memory_space<vmem>>
        %dma_start3A_56 = arith.constant 0 : i32
        %dma_start3A_57 = arith.constant 0 : i32
        %dma_start3A_58 = tpu.memref_slice %arg11[%dma_start3A_56, %dma_start3A_57] : memref<10112x64xf32, #tpu.memory_space<vmem_shared>> -> memref<10112x64xf32, #tpu.memory_space<vmem_shared>>
        tpu.enqueue_indirect_dma source(%arg9 : memref<128x64xf32, #tpu.memory_space<vmem>>) target(%dma_start3A_58 : memref<10112x64xf32, #tpu.memory_space<vmem_shared>>) offsets(%dma_start3A_55 : memref<128xi32, #tpu.memory_space<vmem>>) semaphore(%run_scoped3A : memref<!tpu.dma_semaphore, #tpu.memory_space<semaphore_mem>>) {add = true}
        %dma_wait3A_59 = arith.constant 0 : i32
        %dma_wait3A_60 = tpu.memref_slice %arg8[%mul3A_29, %dma_wait3A_59] : memref<80x128xi32, #tpu.memory_space<vmem>> -> memref<1x128xi32, #tpu.memory_space<vmem>>
        %dma_wait3A_61 = tpu.memref_squeeze %dma_wait3A_60 : memref<1x128xi32, #tpu.memory_space<vmem>> -> memref<128xi32, #tpu.memory_space<vmem>>
        %dma_wait3A_62 = arith.constant 0 : i32
        %dma_wait3A_63 = arith.constant 0 : i32
        %dma_wait3A_64 = tpu.memref_slice %arg11[%dma_wait3A_62, %dma_wait3A_63] : memref<10112x64xf32, #tpu.memory_space<vmem_shared>> -> memref<10112x64xf32, #tpu.memory_space<vmem_shared>>
        tpu.wait_indirect_dma semaphore(%run_scoped3A : memref<!tpu.dma_semaphore, #tpu.memory_space<semaphore_mem>>) src(%arg9 : memref<128x64xf32, #tpu.memory_space<vmem>>) dst(%dma_wait3A_64 : memref<10112x64xf32, #tpu.memory_space<vmem_shared>>)
        tpu.yield
      }) : () -> ()
      %add3A_36 = arith.constant 2 : i32
      %add3A_37 = arith.addi %mul3A_29, %add3A_36 : i32
      %lt3A = arith.constant 80 : i32
      %lt3A_38 = arith.cmpi slt, %add3A_37, %lt3A : i32
      %convert_element_type3A = arith.extui %lt3A_38 : i1 to i32
      %cond3A = arith.constant 0 : i32
      %cond3A_39 = arith.cmpi ne, %convert_element_type3A, %cond3A : i32
      scf.if %cond3A_39 {
        %add3A_53 = arith.constant 2 : i32
        %add3A_54 = arith.addi %mul3A_29, %add3A_53 : i32
        %dma_start3A_55 = arith.constant 0 : i32
        %dma_start3A_56 = tpu.memref_slice %arg7[%add3A_54, %dma_start3A_55] : memref<80x128xi32, #tpu.memory_space<vmem>> -> memref<1x128xi32, #tpu.memory_space<vmem>>
        %dma_start3A_57 = tpu.memref_squeeze %dma_start3A_56 : memref<1x128xi32, #tpu.memory_space<vmem>> -> memref<128xi32, #tpu.memory_space<vmem>>
        %dma_start3A_58 = arith.constant 0 : i32
        %dma_start3A_59 = arith.constant 0 : i32
        %dma_start3A_60 = tpu.memref_slice %arg2[%dma_start3A_58, %dma_start3A_59] : memref<40000x64xf32, #tpu.memory_space<hbm>> -> memref<40000x64xf32, #tpu.memory_space<hbm>>
        tpu.enqueue_indirect_dma source(%dma_start3A_60 : memref<40000x64xf32, #tpu.memory_space<hbm>>) target(%arg9 : memref<128x64xf32, #tpu.memory_space<vmem>>) offsets(%dma_start3A_57 : memref<128xi32, #tpu.memory_space<vmem>>) semaphore(%arg12 : memref<!tpu.dma_semaphore, #tpu.memory_space<semaphore_mem>>)
      } else {
      }
      %dma_wait3A_40 = arith.constant 0 : i32
      %dma_wait3A_41 = tpu.memref_slice %arg7[%add3A_30, %dma_wait3A_40] : memref<80x128xi32, #tpu.memory_space<vmem>> -> memref<1x128xi32, #tpu.memory_space<vmem>>
      %dma_wait3A_42 = tpu.memref_squeeze %dma_wait3A_41 : memref<1x128xi32, #tpu.memory_space<vmem>> -> memref<128xi32, #tpu.memory_space<vmem>>
      %dma_wait3A_43 = arith.constant 0 : i32
      %dma_wait3A_44 = arith.constant 0 : i32
      %dma_wait3A_45 = tpu.memref_slice %arg2[%dma_wait3A_43, %dma_wait3A_44] : memref<40000x64xf32, #tpu.memory_space<hbm>> -> memref<40000x64xf32, #tpu.memory_space<hbm>>
      tpu.wait_indirect_dma semaphore(%arg13 : memref<!tpu.dma_semaphore, #tpu.memory_space<semaphore_mem>>) src(%dma_wait3A_45 : memref<40000x64xf32, #tpu.memory_space<hbm>>) dst(%arg10 : memref<128x64xf32, #tpu.memory_space<vmem>>)
      "tpu.region"() ({
        %run_scoped3A = tpu.sem_alloc : memref<!tpu.dma_semaphore, #tpu.memory_space<semaphore_mem>>
        %dma_start3A_53 = arith.constant 0 : i32
        %dma_start3A_54 = tpu.memref_slice %arg8[%add3A_30, %dma_start3A_53] : memref<80x128xi32, #tpu.memory_space<vmem>> -> memref<1x128xi32, #tpu.memory_space<vmem>>
        %dma_start3A_55 = tpu.memref_squeeze %dma_start3A_54 : memref<1x128xi32, #tpu.memory_space<vmem>> -> memref<128xi32, #tpu.memory_space<vmem>>
        %dma_start3A_56 = arith.constant 0 : i32
        %dma_start3A_57 = arith.constant 0 : i32
        %dma_start3A_58 = tpu.memref_slice %arg11[%dma_start3A_56, %dma_start3A_57] : memref<10112x64xf32, #tpu.memory_space<vmem_shared>> -> memref<10112x64xf32, #tpu.memory_space<vmem_shared>>
        tpu.enqueue_indirect_dma source(%arg10 : memref<128x64xf32, #tpu.memory_space<vmem>>) target(%dma_start3A_58 : memref<10112x64xf32, #tpu.memory_space<vmem_shared>>) offsets(%dma_start3A_55 : memref<128xi32, #tpu.memory_space<vmem>>) semaphore(%run_scoped3A : memref<!tpu.dma_semaphore, #tpu.memory_space<semaphore_mem>>) {add = true}
        %dma_wait3A_59 = arith.constant 0 : i32
        %dma_wait3A_60 = tpu.memref_slice %arg8[%add3A_30, %dma_wait3A_59] : memref<80x128xi32, #tpu.memory_space<vmem>> -> memref<1x128xi32, #tpu.memory_space<vmem>>
        %dma_wait3A_61 = tpu.memref_squeeze %dma_wait3A_60 : memref<1x128xi32, #tpu.memory_space<vmem>> -> memref<128xi32, #tpu.memory_space<vmem>>
        %dma_wait3A_62 = arith.constant 0 : i32
        %dma_wait3A_63 = arith.constant 0 : i32
        %dma_wait3A_64 = tpu.memref_slice %arg11[%dma_wait3A_62, %dma_wait3A_63] : memref<10112x64xf32, #tpu.memory_space<vmem_shared>> -> memref<10112x64xf32, #tpu.memory_space<vmem_shared>>
        tpu.wait_indirect_dma semaphore(%run_scoped3A : memref<!tpu.dma_semaphore, #tpu.memory_space<semaphore_mem>>) src(%arg10 : memref<128x64xf32, #tpu.memory_space<vmem>>) dst(%dma_wait3A_64 : memref<10112x64xf32, #tpu.memory_space<vmem_shared>>)
        tpu.yield
      }) : () -> ()
      %add3A_46 = arith.constant 2 : i32
      %add3A_47 = arith.addi %add3A_30, %add3A_46 : i32
      %lt3A_48 = arith.constant 80 : i32
      %lt3A_49 = arith.cmpi slt, %add3A_47, %lt3A_48 : i32
      %convert_element_type3A_50 = arith.extui %lt3A_49 : i1 to i32
      %cond3A_51 = arith.constant 0 : i32
      %cond3A_52 = arith.cmpi ne, %convert_element_type3A_50, %cond3A_51 : i32
      scf.if %cond3A_52 {
        %add3A_53 = arith.constant 2 : i32
        %add3A_54 = arith.addi %add3A_30, %add3A_53 : i32
        %dma_start3A_55 = arith.constant 0 : i32
        %dma_start3A_56 = tpu.memref_slice %arg7[%add3A_54, %dma_start3A_55] : memref<80x128xi32, #tpu.memory_space<vmem>> -> memref<1x128xi32, #tpu.memory_space<vmem>>
        %dma_start3A_57 = tpu.memref_squeeze %dma_start3A_56 : memref<1x128xi32, #tpu.memory_space<vmem>> -> memref<128xi32, #tpu.memory_space<vmem>>
        %dma_start3A_58 = arith.constant 0 : i32
        %dma_start3A_59 = arith.constant 0 : i32
        %dma_start3A_60 = tpu.memref_slice %arg2[%dma_start3A_58, %dma_start3A_59] : memref<40000x64xf32, #tpu.memory_space<hbm>> -> memref<40000x64xf32, #tpu.memory_space<hbm>>
        tpu.enqueue_indirect_dma source(%dma_start3A_60 : memref<40000x64xf32, #tpu.memory_space<hbm>>) target(%arg10 : memref<128x64xf32, #tpu.memory_space<vmem>>) offsets(%dma_start3A_57 : memref<128xi32, #tpu.memory_space<vmem>>) semaphore(%arg13 : memref<!tpu.dma_semaphore, #tpu.memory_space<semaphore_mem>>)
      } else {
      }
    }
    %scan3A_21 = arith.constant 40 : i32
    %barrier3A_22 = arith.constant 0 : index
    tpu.barrier barrier_id(%barrier3A_22)
    %mul3A_23 = arith.constant 632 : i32
    %mul3A_24 = arith.muli %arg1, %mul3A_23 : i32
    %mul3A_25 = arith.constant 632 : i32
    %mul3A_26 = arith.muli %arg1, %mul3A_25 : i32
    "tpu.region"() ({
      %run_scoped3A = tpu.sem_alloc : memref<!tpu.dma_semaphore, #tpu.memory_space<semaphore_mem>>
      %dma_start3A_27 = arith.constant 0 : i32
      %dma_start3A_28 = tpu.memref_slice %arg6[%arg0, %mul3A_26, %dma_start3A_27] : memref<2x10112x64xf32, #tpu.memory_space<hbm>> -> memref<1x632x64xf32, #tpu.memory_space<hbm>>
      %dma_start3A_29 = tpu.memref_squeeze %dma_start3A_28 : memref<1x632x64xf32, #tpu.memory_space<hbm>> -> memref<632x64xf32, #tpu.memory_space<hbm>>
      %dma_start3A_30 = arith.constant 0 : i32
      %dma_start3A_31 = tpu.memref_slice %arg11[%mul3A_24, %dma_start3A_30] : memref<10112x64xf32, #tpu.memory_space<vmem_shared>> -> memref<632x64xf32, #tpu.memory_space<vmem_shared>>
      tpu.enqueue_dma source(%dma_start3A_31 : memref<632x64xf32, #tpu.memory_space<vmem_shared>>) target(%dma_start3A_29 : memref<632x64xf32, #tpu.memory_space<hbm>>) target_semaphore(%run_scoped3A : memref<!tpu.dma_semaphore, #tpu.memory_space<semaphore_mem>>)
      %dma_wait3A = arith.constant 0 : i32
      %dma_wait3A_32 = tpu.memref_slice %arg6[%arg0, %mul3A_26, %dma_wait3A] : memref<2x10112x64xf32, #tpu.memory_space<hbm>> -> memref<1x632x64xf32, #tpu.memory_space<hbm>>
      %dma_wait3A_33 = tpu.memref_squeeze %dma_wait3A_32 : memref<1x632x64xf32, #tpu.memory_space<hbm>> -> memref<632x64xf32, #tpu.memory_space<hbm>>
      %dma_wait3A_34 = arith.constant 0 : i32
      %dma_wait3A_35 = tpu.memref_slice %arg11[%mul3A_24, %dma_wait3A_34] : memref<10112x64xf32, #tpu.memory_space<vmem_shared>> -> memref<632x64xf32, #tpu.memory_space<vmem_shared>>
      tpu.wait_dma2 semaphore(%run_scoped3A : memref<!tpu.dma_semaphore, #tpu.memory_space<semaphore_mem>>) src(%dma_wait3A_35 : memref<632x64xf32, #tpu.memory_space<vmem_shared>>) dst(%dma_wait3A_33 : memref<632x64xf32, #tpu.memory_space<hbm>>)
      tpu.yield
    }) : () -> ()
    return
  }
}

#map = affine_map<(d0, d1) -> (0, 0)>
#map1 = affine_map<(d0, d1) -> (0, 0, 0)>
module attributes {stable_mosaic.version = 14 : i64} {
  func.func @body(%arg0: i32, %arg1: i32, %arg2: memref<20000x64xf32, #tpu.memory_space<hbm>>, %arg3: memref<2x1280x128xi32, #tpu.memory_space<hbm>>, %arg4: memref<1280x128xi32, #tpu.memory_space<hbm>>, %arg5: memref<632x64xf32, #tpu.memory_space<hbm>>, %arg6: memref<2x10112x64xf32, #tpu.memory_space<hbm>>, %arg7: memref<80x128xi32, #tpu.memory_space<vmem>>, %arg8: memref<80x128xi32, #tpu.memory_space<vmem>>, %arg9: memref<128x64xf32, #tpu.memory_space<vmem>>, %arg10: memref<128x64xf32, #tpu.memory_space<vmem>>, %arg11: memref<10112x64xf32, #tpu.memory_space<vmem_shared>>, %arg12: memref<!tpu.dma_semaphore, #tpu.memory_space<semaphore_mem>>, %arg13: memref<!tpu.dma_semaphore, #tpu.memory_space<semaphore_mem>>) attributes {dimension_semantics = [#tpu.dimension_semantics<core_parallel>, #tpu.dimension_semantics<subcore_parallel>], iteration_bounds = array<i64: 2, 16>, scalar_prefetch = 0 : i64, scratch_operands = 7 : i64, tpu.core_type = #tpu.core_type<sc_vector_subcore>, window_params = [{transform_indices = #map}, {transform_indices = #map1}, {transform_indices = #map}, {transform_indices = #map}, {transform_indices = #map1}]} {
    %mul3A = arith.constant 632 : i32
    %mul3A_0 = arith.muli %arg1, %mul3A : i32
    "tpu.region"() ({
      %run_scoped3A = tpu.sem_alloc : memref<!tpu.dma_semaphore, #tpu.memory_space<semaphore_mem>>
      %dma_start3A_27 = arith.constant 0 : i32
      %dma_start3A_28 = tpu.memref_slice %arg11[%mul3A_0, %dma_start3A_27] : memref<10112x64xf32, #tpu.memory_space<vmem_shared>> -> memref<632x64xf32, #tpu.memory_space<vmem_shared>>
      tpu.enqueue_dma source(%arg5 : memref<632x64xf32, #tpu.memory_space<hbm>>) target(%dma_start3A_28 : memref<632x64xf32, #tpu.memory_space<vmem_shared>>) target_semaphore(%run_scoped3A : memref<!tpu.dma_semaphore, #tpu.memory_space<semaphore_mem>>)
      %dma_wait3A = arith.constant 0 : i32
      %dma_wait3A_29 = tpu.memref_slice %arg11[%mul3A_0, %dma_wait3A] : memref<10112x64xf32, #tpu.memory_space<vmem_shared>> -> memref<632x64xf32, #tpu.memory_space<vmem_shared>>
      tpu.wait_dma2 semaphore(%run_scoped3A : memref<!tpu.dma_semaphore, #tpu.memory_space<semaphore_mem>>) src(%arg5 : memref<632x64xf32, #tpu.memory_space<hbm>>) dst(%dma_wait3A_29 : memref<632x64xf32, #tpu.memory_space<vmem_shared>>)
      tpu.yield
    }) : () -> ()
    %mul3A_1 = arith.constant 80 : i32
    %mul3A_2 = arith.muli %arg1, %mul3A_1 : i32
    "tpu.region"() ({
      %run_scoped3A = tpu.sem_alloc : memref<!tpu.dma_semaphore, #tpu.memory_space<semaphore_mem>>
      %dma_start3A_27 = arith.constant 0 : i32
      %dma_start3A_28 = tpu.memref_slice %arg3[%arg0, %mul3A_2, %dma_start3A_27] : memref<2x1280x128xi32, #tpu.memory_space<hbm>> -> memref<1x80x128xi32, #tpu.memory_space<hbm>>
      %dma_start3A_29 = tpu.memref_squeeze %dma_start3A_28 : memref<1x80x128xi32, #tpu.memory_space<hbm>> -> memref<80x128xi32, #tpu.memory_space<hbm>>
      %dma_start3A_30 = arith.constant 0 : i32
      %dma_start3A_31 = tpu.memref_slice %arg3[%arg0, %mul3A_2, %dma_start3A_30] : memref<2x1280x128xi32, #tpu.memory_space<hbm>> -> memref<1x80x128xi32, #tpu.memory_space<hbm>>
      %dma_start3A_32 = tpu.memref_squeeze %dma_start3A_31 : memref<1x80x128xi32, #tpu.memory_space<hbm>> -> memref<80x128xi32, #tpu.memory_space<hbm>>
      tpu.enqueue_dma source(%dma_start3A_32 : memref<80x128xi32, #tpu.memory_space<hbm>>) target(%arg7 : memref<80x128xi32, #tpu.memory_space<vmem>>) target_semaphore(%run_scoped3A : memref<!tpu.dma_semaphore, #tpu.memory_space<semaphore_mem>>)
      %dma_wait3A = arith.constant 0 : i32
      %dma_wait3A_33 = tpu.memref_slice %arg3[%arg0, %mul3A_2, %dma_wait3A] : memref<2x1280x128xi32, #tpu.memory_space<hbm>> -> memref<1x80x128xi32, #tpu.memory_space<hbm>>
      %dma_wait3A_34 = tpu.memref_squeeze %dma_wait3A_33 : memref<1x80x128xi32, #tpu.memory_space<hbm>> -> memref<80x128xi32, #tpu.memory_space<hbm>>
      %dma_wait3A_35 = arith.constant 0 : i32
      %dma_wait3A_36 = tpu.memref_slice %arg3[%arg0, %mul3A_2, %dma_wait3A_35] : memref<2x1280x128xi32, #tpu.memory_space<hbm>> -> memref<1x80x128xi32, #tpu.memory_space<hbm>>
      %dma_wait3A_37 = tpu.memref_squeeze %dma_wait3A_36 : memref<1x80x128xi32, #tpu.memory_space<hbm>> -> memref<80x128xi32, #tpu.memory_space<hbm>>
      tpu.wait_dma2 semaphore(%run_scoped3A : memref<!tpu.dma_semaphore, #tpu.memory_space<semaphore_mem>>) src(%dma_wait3A_37 : memref<80x128xi32, #tpu.memory_space<hbm>>) dst(%arg7 : memref<80x128xi32, #tpu.memory_space<vmem>>)
      tpu.yield
    }) : () -> ()
    %mul3A_3 = arith.constant 80 : i32
    %mul3A_4 = arith.muli %arg1, %mul3A_3 : i32
    "tpu.region"() ({
      %run_scoped3A = tpu.sem_alloc : memref<!tpu.dma_semaphore, #tpu.memory_space<semaphore_mem>>
      %dma_start3A_27 = arith.constant 0 : i32
      %dma_start3A_28 = tpu.memref_slice %arg4[%mul3A_4, %dma_start3A_27] : memref<1280x128xi32, #tpu.memory_space<hbm>> -> memref<80x128xi32, #tpu.memory_space<hbm>>
      %dma_start3A_29 = arith.constant 0 : i32
      %dma_start3A_30 = tpu.memref_slice %arg4[%mul3A_4, %dma_start3A_29] : memref<1280x128xi32, #tpu.memory_space<hbm>> -> memref<80x128xi32, #tpu.memory_space<hbm>>
      tpu.enqueue_dma source(%dma_start3A_30 : memref<80x128xi32, #tpu.memory_space<hbm>>) target(%arg8 : memref<80x128xi32, #tpu.memory_space<vmem>>) target_semaphore(%run_scoped3A : memref<!tpu.dma_semaphore, #tpu.memory_space<semaphore_mem>>)
      %dma_wait3A = arith.constant 0 : i32
      %dma_wait3A_31 = tpu.memref_slice %arg4[%mul3A_4, %dma_wait3A] : memref<1280x128xi32, #tpu.memory_space<hbm>> -> memref<80x128xi32, #tpu.memory_space<hbm>>
      %dma_wait3A_32 = arith.constant 0 : i32
      %dma_wait3A_33 = tpu.memref_slice %arg4[%mul3A_4, %dma_wait3A_32] : memref<1280x128xi32, #tpu.memory_space<hbm>> -> memref<80x128xi32, #tpu.memory_space<hbm>>
      tpu.wait_dma2 semaphore(%run_scoped3A : memref<!tpu.dma_semaphore, #tpu.memory_space<semaphore_mem>>) src(%dma_wait3A_33 : memref<80x128xi32, #tpu.memory_space<hbm>>) dst(%arg8 : memref<80x128xi32, #tpu.memory_space<vmem>>)
      tpu.yield
    }) : () -> ()
    %barrier3A = arith.constant 0 : index
    tpu.barrier barrier_id(%barrier3A)
    %dma_start3A = arith.constant 0 : i32
    %dma_start3A_5 = arith.constant 0 : i32
    %dma_start3A_6 = tpu.memref_slice %arg7[%dma_start3A, %dma_start3A_5] : memref<80x128xi32, #tpu.memory_space<vmem>> -> memref<1x128xi32, #tpu.memory_space<vmem>>
    %dma_start3A_7 = tpu.memref_squeeze %dma_start3A_6 : memref<1x128xi32, #tpu.memory_space<vmem>> -> memref<128xi32, #tpu.memory_space<vmem>>
    %dma_start3A_8 = arith.constant 0 : i32
    %dma_start3A_9 = arith.constant 0 : i32
    %dma_start3A_10 = tpu.memref_slice %arg2[%dma_start3A_8, %dma_start3A_9] : memref<20000x64xf32, #tpu.memory_space<hbm>> -> memref<20000x64xf32, #tpu.memory_space<hbm>>
    tpu.enqueue_indirect_dma source(%dma_start3A_10 : memref<20000x64xf32, #tpu.memory_space<hbm>>) target(%arg9 : memref<128x64xf32, #tpu.memory_space<vmem>>) offsets(%dma_start3A_7 : memref<128xi32, #tpu.memory_space<vmem>>) semaphore(%arg12 : memref<!tpu.dma_semaphore, #tpu.memory_space<semaphore_mem>>)
    %dma_start3A_11 = arith.constant 1 : i32
    %dma_start3A_12 = arith.constant 0 : i32
    %dma_start3A_13 = tpu.memref_slice %arg7[%dma_start3A_11, %dma_start3A_12] : memref<80x128xi32, #tpu.memory_space<vmem>> -> memref<1x128xi32, #tpu.memory_space<vmem>>
    %dma_start3A_14 = tpu.memref_squeeze %dma_start3A_13 : memref<1x128xi32, #tpu.memory_space<vmem>> -> memref<128xi32, #tpu.memory_space<vmem>>
    %dma_start3A_15 = arith.constant 0 : i32
    %dma_start3A_16 = arith.constant 0 : i32
    %dma_start3A_17 = tpu.memref_slice %arg2[%dma_start3A_15, %dma_start3A_16] : memref<20000x64xf32, #tpu.memory_space<hbm>> -> memref<20000x64xf32, #tpu.memory_space<hbm>>
    tpu.enqueue_indirect_dma source(%dma_start3A_17 : memref<20000x64xf32, #tpu.memory_space<hbm>>) target(%arg10 : memref<128x64xf32, #tpu.memory_space<vmem>>) offsets(%dma_start3A_14 : memref<128xi32, #tpu.memory_space<vmem>>) semaphore(%arg13 : memref<!tpu.dma_semaphore, #tpu.memory_space<semaphore_mem>>)
    %scan3A = arith.constant 0 : i32
    %scan3A_18 = arith.constant 40 : i32
    %scan3A_19 = arith.addi %scan3A, %scan3A_18 : i32
    %scan3A_20 = arith.constant 1 : i32
    scf.for %scan3A_27 = %scan3A to %scan3A_19 step %scan3A_20  : i32 {
      %mul3A_28 = arith.constant 2 : i32
      %mul3A_29 = arith.muli %scan3A_27, %mul3A_28 : i32
      %add3A = arith.constant 1 : i32
      %add3A_30 = arith.addi %mul3A_29, %add3A : i32
      %dma_wait3A = arith.constant 0 : i32
      %dma_wait3A_31 = tpu.memref_slice %arg7[%mul3A_29, %dma_wait3A] : memref<80x128xi32, #tpu.memory_space<vmem>> -> memref<1x128xi32, #tpu.memory_space<vmem>>
      %dma_wait3A_32 = tpu.memref_squeeze %dma_wait3A_31 : memref<1x128xi32, #tpu.memory_space<vmem>> -> memref<128xi32, #tpu.memory_space<vmem>>
      %dma_wait3A_33 = arith.constant 0 : i32
      %dma_wait3A_34 = arith.constant 0 : i32
      %dma_wait3A_35 = tpu.memref_slice %arg2[%dma_wait3A_33, %dma_wait3A_34] : memref<20000x64xf32, #tpu.memory_space<hbm>> -> memref<20000x64xf32, #tpu.memory_space<hbm>>
      tpu.wait_indirect_dma semaphore(%arg12 : memref<!tpu.dma_semaphore, #tpu.memory_space<semaphore_mem>>) src(%dma_wait3A_35 : memref<20000x64xf32, #tpu.memory_space<hbm>>) dst(%arg9 : memref<128x64xf32, #tpu.memory_space<vmem>>)
      "tpu.region"() ({
        %run_scoped3A = tpu.sem_alloc : memref<!tpu.dma_semaphore, #tpu.memory_space<semaphore_mem>>
        %dma_start3A_53 = arith.constant 0 : i32
        %dma_start3A_54 = tpu.memref_slice %arg8[%mul3A_29, %dma_start3A_53] : memref<80x128xi32, #tpu.memory_space<vmem>> -> memref<1x128xi32, #tpu.memory_space<vmem>>
        %dma_start3A_55 = tpu.memref_squeeze %dma_start3A_54 : memref<1x128xi32, #tpu.memory_space<vmem>> -> memref<128xi32, #tpu.memory_space<vmem>>
        %dma_start3A_56 = arith.constant 0 : i32
        %dma_start3A_57 = arith.constant 0 : i32
        %dma_start3A_58 = tpu.memref_slice %arg11[%dma_start3A_56, %dma_start3A_57] : memref<10112x64xf32, #tpu.memory_space<vmem_shared>> -> memref<10112x64xf32, #tpu.memory_space<vmem_shared>>
        tpu.enqueue_indirect_dma source(%arg9 : memref<128x64xf32, #tpu.memory_space<vmem>>) target(%dma_start3A_58 : memref<10112x64xf32, #tpu.memory_space<vmem_shared>>) offsets(%dma_start3A_55 : memref<128xi32, #tpu.memory_space<vmem>>) semaphore(%run_scoped3A : memref<!tpu.dma_semaphore, #tpu.memory_space<semaphore_mem>>) {add = true}
        %dma_wait3A_59 = arith.constant 0 : i32
        %dma_wait3A_60 = tpu.memref_slice %arg8[%mul3A_29, %dma_wait3A_59] : memref<80x128xi32, #tpu.memory_space<vmem>> -> memref<1x128xi32, #tpu.memory_space<vmem>>
        %dma_wait3A_61 = tpu.memref_squeeze %dma_wait3A_60 : memref<1x128xi32, #tpu.memory_space<vmem>> -> memref<128xi32, #tpu.memory_space<vmem>>
        %dma_wait3A_62 = arith.constant 0 : i32
        %dma_wait3A_63 = arith.constant 0 : i32
        %dma_wait3A_64 = tpu.memref_slice %arg11[%dma_wait3A_62, %dma_wait3A_63] : memref<10112x64xf32, #tpu.memory_space<vmem_shared>> -> memref<10112x64xf32, #tpu.memory_space<vmem_shared>>
        tpu.wait_indirect_dma semaphore(%run_scoped3A : memref<!tpu.dma_semaphore, #tpu.memory_space<semaphore_mem>>) src(%arg9 : memref<128x64xf32, #tpu.memory_space<vmem>>) dst(%dma_wait3A_64 : memref<10112x64xf32, #tpu.memory_space<vmem_shared>>)
        tpu.yield
      }) : () -> ()
      %add3A_36 = arith.constant 2 : i32
      %add3A_37 = arith.addi %mul3A_29, %add3A_36 : i32
      %lt3A = arith.constant 80 : i32
      %lt3A_38 = arith.cmpi slt, %add3A_37, %lt3A : i32
      %convert_element_type3A = arith.extui %lt3A_38 : i1 to i32
      %cond3A = arith.constant 0 : i32
      %cond3A_39 = arith.cmpi ne, %convert_element_type3A, %cond3A : i32
      scf.if %cond3A_39 {
        %add3A_53 = arith.constant 2 : i32
        %add3A_54 = arith.addi %mul3A_29, %add3A_53 : i32
        %dma_start3A_55 = arith.constant 0 : i32
        %dma_start3A_56 = tpu.memref_slice %arg7[%add3A_54, %dma_start3A_55] : memref<80x128xi32, #tpu.memory_space<vmem>> -> memref<1x128xi32, #tpu.memory_space<vmem>>
        %dma_start3A_57 = tpu.memref_squeeze %dma_start3A_56 : memref<1x128xi32, #tpu.memory_space<vmem>> -> memref<128xi32, #tpu.memory_space<vmem>>
        %dma_start3A_58 = arith.constant 0 : i32
        %dma_start3A_59 = arith.constant 0 : i32
        %dma_start3A_60 = tpu.memref_slice %arg2[%dma_start3A_58, %dma_start3A_59] : memref<20000x64xf32, #tpu.memory_space<hbm>> -> memref<20000x64xf32, #tpu.memory_space<hbm>>
        tpu.enqueue_indirect_dma source(%dma_start3A_60 : memref<20000x64xf32, #tpu.memory_space<hbm>>) target(%arg9 : memref<128x64xf32, #tpu.memory_space<vmem>>) offsets(%dma_start3A_57 : memref<128xi32, #tpu.memory_space<vmem>>) semaphore(%arg12 : memref<!tpu.dma_semaphore, #tpu.memory_space<semaphore_mem>>)
      } else {
      }
      %dma_wait3A_40 = arith.constant 0 : i32
      %dma_wait3A_41 = tpu.memref_slice %arg7[%add3A_30, %dma_wait3A_40] : memref<80x128xi32, #tpu.memory_space<vmem>> -> memref<1x128xi32, #tpu.memory_space<vmem>>
      %dma_wait3A_42 = tpu.memref_squeeze %dma_wait3A_41 : memref<1x128xi32, #tpu.memory_space<vmem>> -> memref<128xi32, #tpu.memory_space<vmem>>
      %dma_wait3A_43 = arith.constant 0 : i32
      %dma_wait3A_44 = arith.constant 0 : i32
      %dma_wait3A_45 = tpu.memref_slice %arg2[%dma_wait3A_43, %dma_wait3A_44] : memref<20000x64xf32, #tpu.memory_space<hbm>> -> memref<20000x64xf32, #tpu.memory_space<hbm>>
      tpu.wait_indirect_dma semaphore(%arg13 : memref<!tpu.dma_semaphore, #tpu.memory_space<semaphore_mem>>) src(%dma_wait3A_45 : memref<20000x64xf32, #tpu.memory_space<hbm>>) dst(%arg10 : memref<128x64xf32, #tpu.memory_space<vmem>>)
      "tpu.region"() ({
        %run_scoped3A = tpu.sem_alloc : memref<!tpu.dma_semaphore, #tpu.memory_space<semaphore_mem>>
        %dma_start3A_53 = arith.constant 0 : i32
        %dma_start3A_54 = tpu.memref_slice %arg8[%add3A_30, %dma_start3A_53] : memref<80x128xi32, #tpu.memory_space<vmem>> -> memref<1x128xi32, #tpu.memory_space<vmem>>
        %dma_start3A_55 = tpu.memref_squeeze %dma_start3A_54 : memref<1x128xi32, #tpu.memory_space<vmem>> -> memref<128xi32, #tpu.memory_space<vmem>>
        %dma_start3A_56 = arith.constant 0 : i32
        %dma_start3A_57 = arith.constant 0 : i32
        %dma_start3A_58 = tpu.memref_slice %arg11[%dma_start3A_56, %dma_start3A_57] : memref<10112x64xf32, #tpu.memory_space<vmem_shared>> -> memref<10112x64xf32, #tpu.memory_space<vmem_shared>>
        tpu.enqueue_indirect_dma source(%arg10 : memref<128x64xf32, #tpu.memory_space<vmem>>) target(%dma_start3A_58 : memref<10112x64xf32, #tpu.memory_space<vmem_shared>>) offsets(%dma_start3A_55 : memref<128xi32, #tpu.memory_space<vmem>>) semaphore(%run_scoped3A : memref<!tpu.dma_semaphore, #tpu.memory_space<semaphore_mem>>) {add = true}
        %dma_wait3A_59 = arith.constant 0 : i32
        %dma_wait3A_60 = tpu.memref_slice %arg8[%add3A_30, %dma_wait3A_59] : memref<80x128xi32, #tpu.memory_space<vmem>> -> memref<1x128xi32, #tpu.memory_space<vmem>>
        %dma_wait3A_61 = tpu.memref_squeeze %dma_wait3A_60 : memref<1x128xi32, #tpu.memory_space<vmem>> -> memref<128xi32, #tpu.memory_space<vmem>>
        %dma_wait3A_62 = arith.constant 0 : i32
        %dma_wait3A_63 = arith.constant 0 : i32
        %dma_wait3A_64 = tpu.memref_slice %arg11[%dma_wait3A_62, %dma_wait3A_63] : memref<10112x64xf32, #tpu.memory_space<vmem_shared>> -> memref<10112x64xf32, #tpu.memory_space<vmem_shared>>
        tpu.wait_indirect_dma semaphore(%run_scoped3A : memref<!tpu.dma_semaphore, #tpu.memory_space<semaphore_mem>>) src(%arg10 : memref<128x64xf32, #tpu.memory_space<vmem>>) dst(%dma_wait3A_64 : memref<10112x64xf32, #tpu.memory_space<vmem_shared>>)
        tpu.yield
      }) : () -> ()
      %add3A_46 = arith.constant 2 : i32
      %add3A_47 = arith.addi %add3A_30, %add3A_46 : i32
      %lt3A_48 = arith.constant 80 : i32
      %lt3A_49 = arith.cmpi slt, %add3A_47, %lt3A_48 : i32
      %convert_element_type3A_50 = arith.extui %lt3A_49 : i1 to i32
      %cond3A_51 = arith.constant 0 : i32
      %cond3A_52 = arith.cmpi ne, %convert_element_type3A_50, %cond3A_51 : i32
      scf.if %cond3A_52 {
        %add3A_53 = arith.constant 2 : i32
        %add3A_54 = arith.addi %add3A_30, %add3A_53 : i32
        %dma_start3A_55 = arith.constant 0 : i32
        %dma_start3A_56 = tpu.memref_slice %arg7[%add3A_54, %dma_start3A_55] : memref<80x128xi32, #tpu.memory_space<vmem>> -> memref<1x128xi32, #tpu.memory_space<vmem>>
        %dma_start3A_57 = tpu.memref_squeeze %dma_start3A_56 : memref<1x128xi32, #tpu.memory_space<vmem>> -> memref<128xi32, #tpu.memory_space<vmem>>
        %dma_start3A_58 = arith.constant 0 : i32
        %dma_start3A_59 = arith.constant 0 : i32
        %dma_start3A_60 = tpu.memref_slice %arg2[%dma_start3A_58, %dma_start3A_59] : memref<20000x64xf32, #tpu.memory_space<hbm>> -> memref<20000x64xf32, #tpu.memory_space<hbm>>
        tpu.enqueue_indirect_dma source(%dma_start3A_60 : memref<20000x64xf32, #tpu.memory_space<hbm>>) target(%arg10 : memref<128x64xf32, #tpu.memory_space<vmem>>) offsets(%dma_start3A_57 : memref<128xi32, #tpu.memory_space<vmem>>) semaphore(%arg13 : memref<!tpu.dma_semaphore, #tpu.memory_space<semaphore_mem>>)
      } else {
      }
    }
    %scan3A_21 = arith.constant 40 : i32
    %barrier3A_22 = arith.constant 0 : index
    tpu.barrier barrier_id(%barrier3A_22)
    %mul3A_23 = arith.constant 632 : i32
    %mul3A_24 = arith.muli %arg1, %mul3A_23 : i32
    %mul3A_25 = arith.constant 632 : i32
    %mul3A_26 = arith.muli %arg1, %mul3A_25 : i32
    "tpu.region"() ({
      %run_scoped3A = tpu.sem_alloc : memref<!tpu.dma_semaphore, #tpu.memory_space<semaphore_mem>>
      %dma_start3A_27 = arith.constant 0 : i32
      %dma_start3A_28 = tpu.memref_slice %arg6[%arg0, %mul3A_26, %dma_start3A_27] : memref<2x10112x64xf32, #tpu.memory_space<hbm>> -> memref<1x632x64xf32, #tpu.memory_space<hbm>>
      %dma_start3A_29 = tpu.memref_squeeze %dma_start3A_28 : memref<1x632x64xf32, #tpu.memory_space<hbm>> -> memref<632x64xf32, #tpu.memory_space<hbm>>
      %dma_start3A_30 = arith.constant 0 : i32
      %dma_start3A_31 = tpu.memref_slice %arg11[%mul3A_24, %dma_start3A_30] : memref<10112x64xf32, #tpu.memory_space<vmem_shared>> -> memref<632x64xf32, #tpu.memory_space<vmem_shared>>
      tpu.enqueue_dma source(%dma_start3A_31 : memref<632x64xf32, #tpu.memory_space<vmem_shared>>) target(%dma_start3A_29 : memref<632x64xf32, #tpu.memory_space<hbm>>) target_semaphore(%run_scoped3A : memref<!tpu.dma_semaphore, #tpu.memory_space<semaphore_mem>>)
      %dma_wait3A = arith.constant 0 : i32
      %dma_wait3A_32 = tpu.memref_slice %arg6[%arg0, %mul3A_26, %dma_wait3A] : memref<2x10112x64xf32, #tpu.memory_space<hbm>> -> memref<1x632x64xf32, #tpu.memory_space<hbm>>
      %dma_wait3A_33 = tpu.memref_squeeze %dma_wait3A_32 : memref<1x632x64xf32, #tpu.memory_space<hbm>> -> memref<632x64xf32, #tpu.memory_space<hbm>>
      %dma_wait3A_34 = arith.constant 0 : i32
      %dma_wait3A_35 = tpu.memref_slice %arg11[%mul3A_24, %dma_wait3A_34] : memref<10112x64xf32, #tpu.memory_space<vmem_shared>> -> memref<632x64xf32, #tpu.memory_space<vmem_shared>>
      tpu.wait_dma2 semaphore(%run_scoped3A : memref<!tpu.dma_semaphore, #tpu.memory_space<semaphore_mem>>) src(%dma_wait3A_35 : memref<632x64xf32, #tpu.memory_space<vmem_shared>>) dst(%dma_wait3A_33 : memref<632x64xf32, #tpu.memory_space<hbm>>)
      tpu.yield
    }) : () -> ()
    return
  }
}

#map = affine_map<(d0, d1) -> (0, 0, 0)>
#map1 = affine_map<(d0, d1) -> (0, 0)>
module attributes {stable_mosaic.version = 14 : i64} {
  func.func @body(%arg0: i32, %arg1: i32, %arg2: memref<1280x128x32xf32, #tpu.memory_space<hbm>>, %arg3: memref<1280x128xi32, #tpu.memory_space<hbm>>, %arg4: memref<632x32xf32, #tpu.memory_space<hbm>>, %arg5: memref<2x10112x32xf32, #tpu.memory_space<hbm>>, %arg6: memref<40x128xi32, #tpu.memory_space<vmem>>, %arg7: memref<128x32xf32, #tpu.memory_space<vmem>>, %arg8: memref<128x32xf32, #tpu.memory_space<vmem>>, %arg9: memref<10112x32xf32, #tpu.memory_space<vmem_shared>>, %arg10: memref<!tpu.dma_semaphore, #tpu.memory_space<semaphore_mem>>, %arg11: memref<!tpu.dma_semaphore, #tpu.memory_space<semaphore_mem>>) attributes {dimension_semantics = [#tpu.dimension_semantics<core_parallel>, #tpu.dimension_semantics<subcore_parallel>], iteration_bounds = array<i64: 2, 16>, scalar_prefetch = 0 : i64, scratch_operands = 6 : i64, tpu.core_type = #tpu.core_type<sc_vector_subcore>, window_params = [{transform_indices = #map}, {transform_indices = #map1}, {transform_indices = #map1}, {transform_indices = #map}]} {
    %mul3A = arith.constant 2 : i32
    %mul3A_0 = arith.muli %arg1, %mul3A : i32
    %add3A = arith.addi %mul3A_0, %arg0 : i32
    %mul3A_1 = arith.constant 632 : i32
    %mul3A_2 = arith.muli %arg1, %mul3A_1 : i32
    "tpu.region"() ({
      %run_scoped3A = tpu.sem_alloc : memref<!tpu.dma_semaphore, #tpu.memory_space<semaphore_mem>>
      %dma_start3A_35 = arith.constant 0 : i32
      %dma_start3A_36 = tpu.memref_slice %arg9[%mul3A_2, %dma_start3A_35] : memref<10112x32xf32, #tpu.memory_space<vmem_shared>> -> memref<632x32xf32, #tpu.memory_space<vmem_shared>>
      tpu.enqueue_dma source(%arg4 : memref<632x32xf32, #tpu.memory_space<hbm>>) target(%dma_start3A_36 : memref<632x32xf32, #tpu.memory_space<vmem_shared>>) target_semaphore(%run_scoped3A : memref<!tpu.dma_semaphore, #tpu.memory_space<semaphore_mem>>)
      %dma_wait3A = arith.constant 0 : i32
      %dma_wait3A_37 = tpu.memref_slice %arg9[%mul3A_2, %dma_wait3A] : memref<10112x32xf32, #tpu.memory_space<vmem_shared>> -> memref<632x32xf32, #tpu.memory_space<vmem_shared>>
      tpu.wait_dma2 semaphore(%run_scoped3A : memref<!tpu.dma_semaphore, #tpu.memory_space<semaphore_mem>>) src(%arg4 : memref<632x32xf32, #tpu.memory_space<hbm>>) dst(%dma_wait3A_37 : memref<632x32xf32, #tpu.memory_space<vmem_shared>>)
      tpu.yield
    }) : () -> ()
    %mul3A_3 = arith.constant 40 : i32
    %mul3A_4 = arith.muli %add3A, %mul3A_3 : i32
    "tpu.region"() ({
      %run_scoped3A = tpu.sem_alloc : memref<!tpu.dma_semaphore, #tpu.memory_space<semaphore_mem>>
      %dma_start3A_35 = arith.constant 0 : i32
      %dma_start3A_36 = tpu.memref_slice %arg3[%mul3A_4, %dma_start3A_35] : memref<1280x128xi32, #tpu.memory_space<hbm>> -> memref<40x128xi32, #tpu.memory_space<hbm>>
      %dma_start3A_37 = arith.constant 0 : i32
      %dma_start3A_38 = tpu.memref_slice %arg3[%mul3A_4, %dma_start3A_37] : memref<1280x128xi32, #tpu.memory_space<hbm>> -> memref<40x128xi32, #tpu.memory_space<hbm>>
      tpu.enqueue_dma source(%dma_start3A_38 : memref<40x128xi32, #tpu.memory_space<hbm>>) target(%arg6 : memref<40x128xi32, #tpu.memory_space<vmem>>) target_semaphore(%run_scoped3A : memref<!tpu.dma_semaphore, #tpu.memory_space<semaphore_mem>>)
      %dma_wait3A = arith.constant 0 : i32
      %dma_wait3A_39 = tpu.memref_slice %arg3[%mul3A_4, %dma_wait3A] : memref<1280x128xi32, #tpu.memory_space<hbm>> -> memref<40x128xi32, #tpu.memory_space<hbm>>
      %dma_wait3A_40 = arith.constant 0 : i32
      %dma_wait3A_41 = tpu.memref_slice %arg3[%mul3A_4, %dma_wait3A_40] : memref<1280x128xi32, #tpu.memory_space<hbm>> -> memref<40x128xi32, #tpu.memory_space<hbm>>
      tpu.wait_dma2 semaphore(%run_scoped3A : memref<!tpu.dma_semaphore, #tpu.memory_space<semaphore_mem>>) src(%dma_wait3A_41 : memref<40x128xi32, #tpu.memory_space<hbm>>) dst(%arg6 : memref<40x128xi32, #tpu.memory_space<vmem>>)
      tpu.yield
    }) : () -> ()
    %barrier3A = arith.constant 0 : index
    tpu.barrier barrier_id(%barrier3A)
    %mul3A_5 = arith.constant 40 : i32
    %mul3A_6 = arith.muli %add3A, %mul3A_5 : i32
    %dma_start3A = arith.constant 0 : i32
    %dma_start3A_7 = arith.constant 0 : i32
    %dma_start3A_8 = tpu.memref_slice %arg2[%mul3A_6, %dma_start3A, %dma_start3A_7] : memref<1280x128x32xf32, #tpu.memory_space<hbm>> -> memref<1x128x32xf32, #tpu.memory_space<hbm>>
    %dma_start3A_9 = tpu.memref_squeeze %dma_start3A_8 : memref<1x128x32xf32, #tpu.memory_space<hbm>> -> memref<128x32xf32, #tpu.memory_space<hbm>>
    %dma_start3A_10 = arith.constant 0 : i32
    %dma_start3A_11 = arith.constant 0 : i32
    %dma_start3A_12 = tpu.memref_slice %arg2[%mul3A_6, %dma_start3A_10, %dma_start3A_11] : memref<1280x128x32xf32, #tpu.memory_space<hbm>> -> memref<1x128x32xf32, #tpu.memory_space<hbm>>
    %dma_start3A_13 = tpu.memref_squeeze %dma_start3A_12 : memref<1x128x32xf32, #tpu.memory_space<hbm>> -> memref<128x32xf32, #tpu.memory_space<hbm>>
    tpu.enqueue_dma source(%dma_start3A_13 : memref<128x32xf32, #tpu.memory_space<hbm>>) target(%arg7 : memref<128x32xf32, #tpu.memory_space<vmem>>) target_semaphore(%arg10 : memref<!tpu.dma_semaphore, #tpu.memory_space<semaphore_mem>>)
    %mul3A_14 = arith.constant 40 : i32
    %mul3A_15 = arith.muli %add3A, %mul3A_14 : i32
    %add3A_16 = arith.constant 1 : i32
    %add3A_17 = arith.addi %mul3A_15, %add3A_16 : i32
    %dma_start3A_18 = arith.constant 0 : i32
    %dma_start3A_19 = arith.constant 0 : i32
    %dma_start3A_20 = tpu.memref_slice %arg2[%add3A_17, %dma_start3A_18, %dma_start3A_19] : memref<1280x128x32xf32, #tpu.memory_space<hbm>> -> memref<1x128x32xf32, #tpu.memory_space<hbm>>
    %dma_start3A_21 = tpu.memref_squeeze %dma_start3A_20 : memref<1x128x32xf32, #tpu.memory_space<hbm>> -> memref<128x32xf32, #tpu.memory_space<hbm>>
    %dma_start3A_22 = arith.constant 0 : i32
    %dma_start3A_23 = arith.constant 0 : i32
    %dma_start3A_24 = tpu.memref_slice %arg2[%add3A_17, %dma_start3A_22, %dma_start3A_23] : memref<1280x128x32xf32, #tpu.memory_space<hbm>> -> memref<1x128x32xf32, #tpu.memory_space<hbm>>
    %dma_start3A_25 = tpu.memref_squeeze %dma_start3A_24 : memref<1x128x32xf32, #tpu.memory_space<hbm>> -> memref<128x32xf32, #tpu.memory_space<hbm>>
    tpu.enqueue_dma source(%dma_start3A_25 : memref<128x32xf32, #tpu.memory_space<hbm>>) target(%arg8 : memref<128x32xf32, #tpu.memory_space<vmem>>) target_semaphore(%arg11 : memref<!tpu.dma_semaphore, #tpu.memory_space<semaphore_mem>>)
    %scan3A = arith.constant 0 : i32
    %scan3A_26 = arith.constant 20 : i32
    %scan3A_27 = arith.addi %scan3A, %scan3A_26 : i32
    %scan3A_28 = arith.constant 1 : i32
    scf.for %scan3A_35 = %scan3A to %scan3A_27 step %scan3A_28  : i32 {
      %mul3A_36 = arith.constant 2 : i32
      %mul3A_37 = arith.muli %scan3A_35, %mul3A_36 : i32
      %add3A_38 = arith.constant 1 : i32
      %add3A_39 = arith.addi %mul3A_37, %add3A_38 : i32
      %mul3A_40 = arith.constant 40 : i32
      %mul3A_41 = arith.muli %add3A, %mul3A_40 : i32
      %add3A_42 = arith.addi %mul3A_41, %mul3A_37 : i32
      %dma_wait3A = arith.constant 0 : i32
      %dma_wait3A_43 = arith.constant 0 : i32
      %dma_wait3A_44 = tpu.memref_slice %arg2[%add3A_42, %dma_wait3A, %dma_wait3A_43] : memref<1280x128x32xf32, #tpu.memory_space<hbm>> -> memref<1x128x32xf32, #tpu.memory_space<hbm>>
      %dma_wait3A_45 = tpu.memref_squeeze %dma_wait3A_44 : memref<1x128x32xf32, #tpu.memory_space<hbm>> -> memref<128x32xf32, #tpu.memory_space<hbm>>
      %dma_wait3A_46 = arith.constant 0 : i32
      %dma_wait3A_47 = arith.constant 0 : i32
      %dma_wait3A_48 = tpu.memref_slice %arg2[%add3A_42, %dma_wait3A_46, %dma_wait3A_47] : memref<1280x128x32xf32, #tpu.memory_space<hbm>> -> memref<1x128x32xf32, #tpu.memory_space<hbm>>
      %dma_wait3A_49 = tpu.memref_squeeze %dma_wait3A_48 : memref<1x128x32xf32, #tpu.memory_space<hbm>> -> memref<128x32xf32, #tpu.memory_space<hbm>>
      tpu.wait_dma2 semaphore(%arg10 : memref<!tpu.dma_semaphore, #tpu.memory_space<semaphore_mem>>) src(%dma_wait3A_49 : memref<128x32xf32, #tpu.memory_space<hbm>>) dst(%arg7 : memref<128x32xf32, #tpu.memory_space<vmem>>)
      "tpu.region"() ({
        %run_scoped3A = tpu.sem_alloc : memref<!tpu.dma_semaphore, #tpu.memory_space<semaphore_mem>>
        %dma_start3A_72 = arith.constant 0 : i32
        %dma_start3A_73 = tpu.memref_slice %arg6[%mul3A_37, %dma_start3A_72] : memref<40x128xi32, #tpu.memory_space<vmem>> -> memref<1x128xi32, #tpu.memory_space<vmem>>
        %dma_start3A_74 = tpu.memref_squeeze %dma_start3A_73 : memref<1x128xi32, #tpu.memory_space<vmem>> -> memref<128xi32, #tpu.memory_space<vmem>>
        %dma_start3A_75 = arith.constant 0 : i32
        %dma_start3A_76 = arith.constant 0 : i32
        %dma_start3A_77 = tpu.memref_slice %arg9[%dma_start3A_75, %dma_start3A_76] : memref<10112x32xf32, #tpu.memory_space<vmem_shared>> -> memref<10112x32xf32, #tpu.memory_space<vmem_shared>>
        tpu.enqueue_indirect_dma source(%arg7 : memref<128x32xf32, #tpu.memory_space<vmem>>) target(%dma_start3A_77 : memref<10112x32xf32, #tpu.memory_space<vmem_shared>>) offsets(%dma_start3A_74 : memref<128xi32, #tpu.memory_space<vmem>>) semaphore(%run_scoped3A : memref<!tpu.dma_semaphore, #tpu.memory_space<semaphore_mem>>) {add = true}
        %dma_wait3A_78 = arith.constant 0 : i32
        %dma_wait3A_79 = tpu.memref_slice %arg6[%mul3A_37, %dma_wait3A_78] : memref<40x128xi32, #tpu.memory_space<vmem>> -> memref<1x128xi32, #tpu.memory_space<vmem>>
        %dma_wait3A_80 = tpu.memref_squeeze %dma_wait3A_79 : memref<1x128xi32, #tpu.memory_space<vmem>> -> memref<128xi32, #tpu.memory_space<vmem>>
        %dma_wait3A_81 = arith.constant 0 : i32
        %dma_wait3A_82 = arith.constant 0 : i32
        %dma_wait3A_83 = tpu.memref_slice %arg9[%dma_wait3A_81, %dma_wait3A_82] : memref<10112x32xf32, #tpu.memory_space<vmem_shared>> -> memref<10112x32xf32, #tpu.memory_space<vmem_shared>>
        tpu.wait_indirect_dma semaphore(%run_scoped3A : memref<!tpu.dma_semaphore, #tpu.memory_space<semaphore_mem>>) src(%arg7 : memref<128x32xf32, #tpu.memory_space<vmem>>) dst(%dma_wait3A_83 : memref<10112x32xf32, #tpu.memory_space<vmem_shared>>)
        tpu.yield
      }) : () -> ()
      %add3A_50 = arith.constant 2 : i32
      %add3A_51 = arith.addi %mul3A_37, %add3A_50 : i32
      %lt3A = arith.constant 40 : i32
      %lt3A_52 = arith.cmpi slt, %add3A_51, %lt3A : i32
      %convert_element_type3A = arith.extui %lt3A_52 : i1 to i32
      %cond3A = arith.constant 0 : i32
      %cond3A_53 = arith.cmpi ne, %convert_element_type3A, %cond3A : i32
      scf.if %cond3A_53 {
        %mul3A_72 = arith.constant 40 : i32
        %mul3A_73 = arith.muli %add3A, %mul3A_72 : i32
        %add3A_74 = arith.addi %mul3A_73, %mul3A_37 : i32
        %add3A_75 = arith.constant 2 : i32
        %add3A_76 = arith.addi %add3A_74, %add3A_75 : i32
        %dma_start3A_77 = arith.constant 0 : i32
        %dma_start3A_78 = arith.constant 0 : i32
        %dma_start3A_79 = tpu.memref_slice %arg2[%add3A_76, %dma_start3A_77, %dma_start3A_78] : memref<1280x128x32xf32, #tpu.memory_space<hbm>> -> memref<1x128x32xf32, #tpu.memory_space<hbm>>
        %dma_start3A_80 = tpu.memref_squeeze %dma_start3A_79 : memref<1x128x32xf32, #tpu.memory_space<hbm>> -> memref<128x32xf32, #tpu.memory_space<hbm>>
        %dma_start3A_81 = arith.constant 0 : i32
        %dma_start3A_82 = arith.constant 0 : i32
        %dma_start3A_83 = tpu.memref_slice %arg2[%add3A_76, %dma_start3A_81, %dma_start3A_82] : memref<1280x128x32xf32, #tpu.memory_space<hbm>> -> memref<1x128x32xf32, #tpu.memory_space<hbm>>
        %dma_start3A_84 = tpu.memref_squeeze %dma_start3A_83 : memref<1x128x32xf32, #tpu.memory_space<hbm>> -> memref<128x32xf32, #tpu.memory_space<hbm>>
        tpu.enqueue_dma source(%dma_start3A_84 : memref<128x32xf32, #tpu.memory_space<hbm>>) target(%arg7 : memref<128x32xf32, #tpu.memory_space<vmem>>) target_semaphore(%arg10 : memref<!tpu.dma_semaphore, #tpu.memory_space<semaphore_mem>>)
      } else {
      }
      %mul3A_54 = arith.constant 40 : i32
      %mul3A_55 = arith.muli %add3A, %mul3A_54 : i32
      %add3A_56 = arith.addi %mul3A_55, %add3A_39 : i32
      %dma_wait3A_57 = arith.constant 0 : i32
      %dma_wait3A_58 = arith.constant 0 : i32
      %dma_wait3A_59 = tpu.memref_slice %arg2[%add3A_56, %dma_wait3A_57, %dma_wait3A_58] : memref<1280x128x32xf32, #tpu.memory_space<hbm>> -> memref<1x128x32xf32, #tpu.memory_space<hbm>>
      %dma_wait3A_60 = tpu.memref_squeeze %dma_wait3A_59 : memref<1x128x32xf32, #tpu.memory_space<hbm>> -> memref<128x32xf32, #tpu.memory_space<hbm>>
      %dma_wait3A_61 = arith.constant 0 : i32
      %dma_wait3A_62 = arith.constant 0 : i32
      %dma_wait3A_63 = tpu.memref_slice %arg2[%add3A_56, %dma_wait3A_61, %dma_wait3A_62] : memref<1280x128x32xf32, #tpu.memory_space<hbm>> -> memref<1x128x32xf32, #tpu.memory_space<hbm>>
      %dma_wait3A_64 = tpu.memref_squeeze %dma_wait3A_63 : memref<1x128x32xf32, #tpu.memory_space<hbm>> -> memref<128x32xf32, #tpu.memory_space<hbm>>
      tpu.wait_dma2 semaphore(%arg11 : memref<!tpu.dma_semaphore, #tpu.memory_space<semaphore_mem>>) src(%dma_wait3A_64 : memref<128x32xf32, #tpu.memory_space<hbm>>) dst(%arg8 : memref<128x32xf32, #tpu.memory_space<vmem>>)
      "tpu.region"() ({
        %run_scoped3A = tpu.sem_alloc : memref<!tpu.dma_semaphore, #tpu.memory_space<semaphore_mem>>
        %dma_start3A_72 = arith.constant 0 : i32
        %dma_start3A_73 = tpu.memref_slice %arg6[%add3A_39, %dma_start3A_72] : memref<40x128xi32, #tpu.memory_space<vmem>> -> memref<1x128xi32, #tpu.memory_space<vmem>>
        %dma_start3A_74 = tpu.memref_squeeze %dma_start3A_73 : memref<1x128xi32, #tpu.memory_space<vmem>> -> memref<128xi32, #tpu.memory_space<vmem>>
        %dma_start3A_75 = arith.constant 0 : i32
        %dma_start3A_76 = arith.constant 0 : i32
        %dma_start3A_77 = tpu.memref_slice %arg9[%dma_start3A_75, %dma_start3A_76] : memref<10112x32xf32, #tpu.memory_space<vmem_shared>> -> memref<10112x32xf32, #tpu.memory_space<vmem_shared>>
        tpu.enqueue_indirect_dma source(%arg8 : memref<128x32xf32, #tpu.memory_space<vmem>>) target(%dma_start3A_77 : memref<10112x32xf32, #tpu.memory_space<vmem_shared>>) offsets(%dma_start3A_74 : memref<128xi32, #tpu.memory_space<vmem>>) semaphore(%run_scoped3A : memref<!tpu.dma_semaphore, #tpu.memory_space<semaphore_mem>>) {add = true}
        %dma_wait3A_78 = arith.constant 0 : i32
        %dma_wait3A_79 = tpu.memref_slice %arg6[%add3A_39, %dma_wait3A_78] : memref<40x128xi32, #tpu.memory_space<vmem>> -> memref<1x128xi32, #tpu.memory_space<vmem>>
        %dma_wait3A_80 = tpu.memref_squeeze %dma_wait3A_79 : memref<1x128xi32, #tpu.memory_space<vmem>> -> memref<128xi32, #tpu.memory_space<vmem>>
        %dma_wait3A_81 = arith.constant 0 : i32
        %dma_wait3A_82 = arith.constant 0 : i32
        %dma_wait3A_83 = tpu.memref_slice %arg9[%dma_wait3A_81, %dma_wait3A_82] : memref<10112x32xf32, #tpu.memory_space<vmem_shared>> -> memref<10112x32xf32, #tpu.memory_space<vmem_shared>>
        tpu.wait_indirect_dma semaphore(%run_scoped3A : memref<!tpu.dma_semaphore, #tpu.memory_space<semaphore_mem>>) src(%arg8 : memref<128x32xf32, #tpu.memory_space<vmem>>) dst(%dma_wait3A_83 : memref<10112x32xf32, #tpu.memory_space<vmem_shared>>)
        tpu.yield
      }) : () -> ()
      %add3A_65 = arith.constant 2 : i32
      %add3A_66 = arith.addi %add3A_39, %add3A_65 : i32
      %lt3A_67 = arith.constant 40 : i32
      %lt3A_68 = arith.cmpi slt, %add3A_66, %lt3A_67 : i32
      %convert_element_type3A_69 = arith.extui %lt3A_68 : i1 to i32
      %cond3A_70 = arith.constant 0 : i32
      %cond3A_71 = arith.cmpi ne, %convert_element_type3A_69, %cond3A_70 : i32
      scf.if %cond3A_71 {
        %mul3A_72 = arith.constant 40 : i32
        %mul3A_73 = arith.muli %add3A, %mul3A_72 : i32
        %add3A_74 = arith.addi %mul3A_73, %add3A_39 : i32
        %add3A_75 = arith.constant 2 : i32
        %add3A_76 = arith.addi %add3A_74, %add3A_75 : i32
        %dma_start3A_77 = arith.constant 0 : i32
        %dma_start3A_78 = arith.constant 0 : i32
        %dma_start3A_79 = tpu.memref_slice %arg2[%add3A_76, %dma_start3A_77, %dma_start3A_78] : memref<1280x128x32xf32, #tpu.memory_space<hbm>> -> memref<1x128x32xf32, #tpu.memory_space<hbm>>
        %dma_start3A_80 = tpu.memref_squeeze %dma_start3A_79 : memref<1x128x32xf32, #tpu.memory_space<hbm>> -> memref<128x32xf32, #tpu.memory_space<hbm>>
        %dma_start3A_81 = arith.constant 0 : i32
        %dma_start3A_82 = arith.constant 0 : i32
        %dma_start3A_83 = tpu.memref_slice %arg2[%add3A_76, %dma_start3A_81, %dma_start3A_82] : memref<1280x128x32xf32, #tpu.memory_space<hbm>> -> memref<1x128x32xf32, #tpu.memory_space<hbm>>
        %dma_start3A_84 = tpu.memref_squeeze %dma_start3A_83 : memref<1x128x32xf32, #tpu.memory_space<hbm>> -> memref<128x32xf32, #tpu.memory_space<hbm>>
        tpu.enqueue_dma source(%dma_start3A_84 : memref<128x32xf32, #tpu.memory_space<hbm>>) target(%arg8 : memref<128x32xf32, #tpu.memory_space<vmem>>) target_semaphore(%arg11 : memref<!tpu.dma_semaphore, #tpu.memory_space<semaphore_mem>>)
      } else {
      }
    }
    %scan3A_29 = arith.constant 20 : i32
    %barrier3A_30 = arith.constant 0 : index
    tpu.barrier barrier_id(%barrier3A_30)
    %mul3A_31 = arith.constant 632 : i32
    %mul3A_32 = arith.muli %arg1, %mul3A_31 : i32
    %mul3A_33 = arith.constant 632 : i32
    %mul3A_34 = arith.muli %arg1, %mul3A_33 : i32
    "tpu.region"() ({
      %run_scoped3A = tpu.sem_alloc : memref<!tpu.dma_semaphore, #tpu.memory_space<semaphore_mem>>
      %dma_start3A_35 = arith.constant 0 : i32
      %dma_start3A_36 = tpu.memref_slice %arg5[%arg0, %mul3A_34, %dma_start3A_35] : memref<2x10112x32xf32, #tpu.memory_space<hbm>> -> memref<1x632x32xf32, #tpu.memory_space<hbm>>
      %dma_start3A_37 = tpu.memref_squeeze %dma_start3A_36 : memref<1x632x32xf32, #tpu.memory_space<hbm>> -> memref<632x32xf32, #tpu.memory_space<hbm>>
      %dma_start3A_38 = arith.constant 0 : i32
      %dma_start3A_39 = tpu.memref_slice %arg9[%mul3A_32, %dma_start3A_38] : memref<10112x32xf32, #tpu.memory_space<vmem_shared>> -> memref<632x32xf32, #tpu.memory_space<vmem_shared>>
      tpu.enqueue_dma source(%dma_start3A_39 : memref<632x32xf32, #tpu.memory_space<vmem_shared>>) target(%dma_start3A_37 : memref<632x32xf32, #tpu.memory_space<hbm>>) target_semaphore(%run_scoped3A : memref<!tpu.dma_semaphore, #tpu.memory_space<semaphore_mem>>)
      %dma_wait3A = arith.constant 0 : i32
      %dma_wait3A_40 = tpu.memref_slice %arg5[%arg0, %mul3A_34, %dma_wait3A] : memref<2x10112x32xf32, #tpu.memory_space<hbm>> -> memref<1x632x32xf32, #tpu.memory_space<hbm>>
      %dma_wait3A_41 = tpu.memref_squeeze %dma_wait3A_40 : memref<1x632x32xf32, #tpu.memory_space<hbm>> -> memref<632x32xf32, #tpu.memory_space<hbm>>
      %dma_wait3A_42 = arith.constant 0 : i32
      %dma_wait3A_43 = tpu.memref_slice %arg9[%mul3A_32, %dma_wait3A_42] : memref<10112x32xf32, #tpu.memory_space<vmem_shared>> -> memref<632x32xf32, #tpu.memory_space<vmem_shared>>
      tpu.wait_dma2 semaphore(%run_scoped3A : memref<!tpu.dma_semaphore, #tpu.memory_space<semaphore_mem>>) src(%dma_wait3A_43 : memref<632x32xf32, #tpu.memory_space<vmem_shared>>) dst(%dma_wait3A_41 : memref<632x32xf32, #tpu.memory_space<hbm>>)
      tpu.yield
    }) : () -> ()
    return
  }
}

module attributes {stable_mosaic.version = 14 : i64} {
  func.func @_l1_combine_kernel(%arg0: i32, %arg1: memref<1000x256xf32, #tpu.memory_space<vmem>>, %arg2: memref<2x1000x64xf32, #tpu.memory_space<vmem>>, %arg3: memref<2x1000x64xf32, #tpu.memory_space<vmem>>, %arg4: memref<2x1000x32xf32, #tpu.memory_space<vmem>>, %arg5: memref<272x128xf32, #tpu.memory_space<vmem>>, %arg6: memref<1x128xf32, #tpu.memory_space<vmem>>, %arg7: memref<384x128xf32, #tpu.memory_space<vmem>>, %arg8: memref<1x128xf32, #tpu.memory_space<vmem>>, %arg9: memref<1000x128xf32, #tpu.memory_space<vmem>>) attributes {dimension_semantics = [#tpu.dimension_semantics<arbitrary>], iteration_bounds = array<i64: 10>, scalar_prefetch = 0 : i64, scratch_operands = 0 : i64, tpu.core_type = #tpu.core_type<tc>, window_params = [{transform_indices = @transform_0, window_bounds = array<i64: 1000, 256>}, {transform_indices = @transform_1, window_bounds = array<i64: 2, 1000, 64>}, {transform_indices = @transform_2, window_bounds = array<i64: 2, 1000, 64>}, {transform_indices = @transform_3, window_bounds = array<i64: 2, 1000, 32>}, {pipeline_mode = #tpu.pipeline_mode<synchronous>, transform_indices = @transform_4, window_bounds = array<i64: 272, 128>}, {pipeline_mode = #tpu.pipeline_mode<synchronous>, transform_indices = @transform_5, window_bounds = array<i64: 1, 128>}, {pipeline_mode = #tpu.pipeline_mode<synchronous>, transform_indices = @transform_6, window_bounds = array<i64: 384, 128>}, {pipeline_mode = #tpu.pipeline_mode<synchronous>, transform_indices = @transform_7, window_bounds = array<i64: 1, 128>}, {transform_indices = @transform_8, window_bounds = array<i64: 1000, 128>}]} {
    %get3A = arith.constant 0 : index
    %get3A_0 = arith.constant 0 : index
    %get3A_1 = vector.load %arg1[%get3A, %get3A_0] : memref<1000x256xf32, #tpu.memory_space<vmem>>, vector<1000x256xf32>
    %get3A_2 = arith.constant 0 : index
    %get3A_3 = arith.constant 0 : index
    %get3A_4 = arith.constant 0 : index
    %get3A_5 = vector.load %arg4[%get3A_2, %get3A_3, %get3A_4] : memref<2x1000x32xf32, #tpu.memory_space<vmem>>, vector<1x1000x32xf32>
    %get3A_6 = vector.shape_cast %get3A_5 : vector<1x1000x32xf32> to vector<1000x32xf32>
    %get3A_7 = arith.constant 1 : index
    %get3A_8 = arith.constant 0 : index
    %get3A_9 = arith.constant 0 : index
    %get3A_10 = vector.load %arg4[%get3A_7, %get3A_8, %get3A_9] : memref<2x1000x32xf32, #tpu.memory_space<vmem>>, vector<1x1000x32xf32>
    %get3A_11 = vector.shape_cast %get3A_10 : vector<1x1000x32xf32> to vector<1000x32xf32>
    %add3A = arith.addf %get3A_6, %get3A_11 : vector<1000x32xf32>
    %get3A_12 = arith.constant 0 : index
    %get3A_13 = arith.constant 0 : index
    %get3A_14 = vector.load %arg5[%get3A_12, %get3A_13] : memref<272x128xf32, #tpu.memory_space<vmem>>, vector<272x128xf32>
    %slice3A = vector.extract_strided_slice %add3A {offsets = [0, 16], sizes = [1000, 1], strides = [1, 1]} : vector<1000x32xf32> to vector<1000x1xf32>
    %squeeze3A = vector.shape_cast %slice3A : vector<1000x1xf32> to vector<1000xf32>
    %slice3A_15 = vector.extract_strided_slice %add3A {offsets = [0, 0], sizes = [1000, 16], strides = [1, 1]} : vector<1000x32xf32> to vector<1000x16xf32>
    %max3A = arith.constant 1.000000e+00 : f32
    %max3A_16 = vector.broadcast %max3A : f32 to vector<1000xf32>
    %max3A_17 = arith.maximumf %squeeze3A, %max3A_16 : vector<1000xf32>
    %div3A = arith.constant 1.000000e+00 : f32
    %div3A_18 = vector.broadcast %div3A : f32 to vector<1000xf32>
    %div3A_19 = arith.divf %div3A_18, %max3A_17 : vector<1000xf32>
    %get3A_20 = arith.constant 0 : index
    %get3A_21 = arith.constant 0 : index
    %get3A_22 = arith.constant 0 : index
    %get3A_23 = vector.load %arg2[%get3A_20, %get3A_21, %get3A_22] : memref<2x1000x64xf32, #tpu.memory_space<vmem>>, vector<1x1000x64xf32>
    %get3A_24 = vector.shape_cast %get3A_23 : vector<1x1000x64xf32> to vector<1000x64xf32>
    %slice3A_25 = vector.extract_strided_slice %get3A_14 {offsets = [0, 0], sizes = [64, 128], strides = [1, 1]} : vector<272x128xf32> to vector<64x128xf32>
    %dot_general3A = arith.constant dense<0.000000e+00> : vector<1000x128xf32>
    %dot_general3A_26 = tpu.matmul %get3A_24, %slice3A_25, %dot_general3A {dimension_numbers = #tpu.dot_dimension_numbers<[1], [0], [0], [1], [0, 0, 1, 1], [], []>, transpose_lhs_hint = false} : vector<1000x64xf32>, vector<64x128xf32>, vector<1000x128xf32> -> vector<1000x128xf32>
    %get3A_27 = arith.constant 1 : index
    %get3A_28 = arith.constant 0 : index
    %get3A_29 = arith.constant 0 : index
    %get3A_30 = vector.load %arg2[%get3A_27, %get3A_28, %get3A_29] : memref<2x1000x64xf32, #tpu.memory_space<vmem>>, vector<1x1000x64xf32>
    %get3A_31 = vector.shape_cast %get3A_30 : vector<1x1000x64xf32> to vector<1000x64xf32>
    %slice3A_32 = vector.extract_strided_slice %get3A_14 {offsets = [64, 0], sizes = [64, 128], strides = [1, 1]} : vector<272x128xf32> to vector<64x128xf32>
    %dot_general3A_33 = arith.constant dense<0.000000e+00> : vector<1000x128xf32>
    %dot_general3A_34 = tpu.matmul %get3A_31, %slice3A_32, %dot_general3A_33 {dimension_numbers = #tpu.dot_dimension_numbers<[1], [0], [0], [1], [0, 0, 1, 1], [], []>, transpose_lhs_hint = false} : vector<1000x64xf32>, vector<64x128xf32>, vector<1000x128xf32> -> vector<1000x128xf32>
    %add3A_35 = arith.addf %dot_general3A_26, %dot_general3A_34 : vector<1000x128xf32>
    %get3A_36 = arith.constant 0 : index
    %get3A_37 = arith.constant 0 : index
    %get3A_38 = arith.constant 0 : index
    %get3A_39 = vector.load %arg3[%get3A_36, %get3A_37, %get3A_38] : memref<2x1000x64xf32, #tpu.memory_space<vmem>>, vector<1x1000x64xf32>
    %get3A_40 = vector.shape_cast %get3A_39 : vector<1x1000x64xf32> to vector<1000x64xf32>
    %slice3A_41 = vector.extract_strided_slice %get3A_14 {offsets = [128, 0], sizes = [64, 128], strides = [1, 1]} : vector<272x128xf32> to vector<64x128xf32>
    %dot_general3A_42 = arith.constant dense<0.000000e+00> : vector<1000x128xf32>
    %dot_general3A_43 = tpu.matmul %get3A_40, %slice3A_41, %dot_general3A_42 {dimension_numbers = #tpu.dot_dimension_numbers<[1], [0], [0], [1], [0, 0, 1, 1], [], []>, transpose_lhs_hint = false} : vector<1000x64xf32>, vector<64x128xf32>, vector<1000x128xf32> -> vector<1000x128xf32>
    %add3A_44 = arith.addf %add3A_35, %dot_general3A_43 : vector<1000x128xf32>
    %get3A_45 = arith.constant 1 : index
    %get3A_46 = arith.constant 0 : index
    %get3A_47 = arith.constant 0 : index
    %get3A_48 = vector.load %arg3[%get3A_45, %get3A_46, %get3A_47] : memref<2x1000x64xf32, #tpu.memory_space<vmem>>, vector<1x1000x64xf32>
    %get3A_49 = vector.shape_cast %get3A_48 : vector<1x1000x64xf32> to vector<1000x64xf32>
    %slice3A_50 = vector.extract_strided_slice %get3A_14 {offsets = [192, 0], sizes = [64, 128], strides = [1, 1]} : vector<272x128xf32> to vector<64x128xf32>
    %dot_general3A_51 = arith.constant dense<0.000000e+00> : vector<1000x128xf32>
    %dot_general3A_52 = tpu.matmul %get3A_49, %slice3A_50, %dot_general3A_51 {dimension_numbers = #tpu.dot_dimension_numbers<[1], [0], [0], [1], [0, 0, 1, 1], [], []>, transpose_lhs_hint = false} : vector<1000x64xf32>, vector<64x128xf32>, vector<1000x128xf32> -> vector<1000x128xf32>
    %add3A_53 = arith.addf %add3A_44, %dot_general3A_52 : vector<1000x128xf32>
    %slice3A_54 = vector.extract_strided_slice %get3A_14 {offsets = [256, 0], sizes = [16, 128], strides = [1, 1]} : vector<272x128xf32> to vector<16x128xf32>
    %dot_general3A_55 = arith.constant dense<0.000000e+00> : vector<1000x128xf32>
    %dot_general3A_56 = tpu.matmul %slice3A_15, %slice3A_54, %dot_general3A_55 {dimension_numbers = #tpu.dot_dimension_numbers<[1], [0], [0], [1], [0, 0, 1, 1], [], []>, transpose_lhs_hint = false} : vector<1000x16xf32>, vector<16x128xf32>, vector<1000x128xf32> -> vector<1000x128xf32>
    %add3A_57 = arith.addf %add3A_53, %dot_general3A_56 : vector<1000x128xf32>
    %broadcast_in_dim3A = vector.shape_cast %squeeze3A : vector<1000xf32> to vector<1000x1xf32>
    %get3A_58 = arith.constant 0 : index
    %get3A_59 = arith.constant 0 : index
    %get3A_60 = vector.load %arg6[%get3A_58, %get3A_59] : memref<1x128xf32, #tpu.memory_space<vmem>>, vector<1x128xf32>
    %mul3A = vector.broadcast %broadcast_in_dim3A : vector<1000x1xf32> to vector<1000x128xf32>
    %mul3A_61 = vector.broadcast %get3A_60 : vector<1x128xf32> to vector<1000x128xf32>
    %mul3A_62 = arith.mulf %mul3A, %mul3A_61 : vector<1000x128xf32>
    %add3A_63 = arith.addf %add3A_57, %mul3A_62 : vector<1000x128xf32>
    %broadcast_in_dim3A_64 = vector.shape_cast %div3A_19 : vector<1000xf32> to vector<1000x1xf32>
    %mul3A_65 = vector.broadcast %broadcast_in_dim3A_64 : vector<1000x1xf32> to vector<1000x128xf32>
    %mul3A_66 = arith.mulf %add3A_63, %mul3A_65 : vector<1000x128xf32>
    %get3A_67 = arith.constant 0 : index
    %get3A_68 = arith.constant 0 : index
    %get3A_69 = vector.load %arg7[%get3A_67, %get3A_68] : memref<384x128xf32, #tpu.memory_space<vmem>>, vector<384x128xf32>
    %slice3A_70 = vector.extract_strided_slice %get3A_69 {offsets = [0, 0], sizes = [256, 128], strides = [1, 1]} : vector<384x128xf32> to vector<256x128xf32>
    %dot_general3A_71 = arith.constant dense<0.000000e+00> : vector<1000x128xf32>
    %dot_general3A_72 = tpu.matmul %get3A_1, %slice3A_70, %dot_general3A_71 {dimension_numbers = #tpu.dot_dimension_numbers<[1], [0], [0], [1], [0, 0, 1, 1], [], []>, transpose_lhs_hint = false} : vector<1000x256xf32>, vector<256x128xf32>, vector<1000x128xf32> -> vector<1000x128xf32>
    %slice3A_73 = vector.extract_strided_slice %get3A_69 {offsets = [256, 0], sizes = [128, 128], strides = [1, 1]} : vector<384x128xf32> to vector<128x128xf32>
    %dot_general3A_74 = arith.constant dense<0.000000e+00> : vector<1000x128xf32>
    %dot_general3A_75 = tpu.matmul %mul3A_66, %slice3A_73, %dot_general3A_74 {dimension_numbers = #tpu.dot_dimension_numbers<[1], [0], [0], [1], [0, 0, 1, 1], [], []>, transpose_lhs_hint = false} : vector<1000x128xf32>, vector<128x128xf32>, vector<1000x128xf32> -> vector<1000x128xf32>
    %add3A_76 = arith.addf %dot_general3A_72, %dot_general3A_75 : vector<1000x128xf32>
    %get3A_77 = arith.constant 0 : index
    %get3A_78 = arith.constant 0 : index
    %get3A_79 = vector.load %arg8[%get3A_77, %get3A_78] : memref<1x128xf32, #tpu.memory_space<vmem>>, vector<1x128xf32>
    %add3A_80 = vector.broadcast %get3A_79 : vector<1x128xf32> to vector<1000x128xf32>
    %add3A_81 = arith.addf %add3A_76, %add3A_80 : vector<1000x128xf32>
    %max3A_82 = arith.constant 0.000000e+00 : f32
    %max3A_83 = vector.broadcast %max3A_82 : f32 to vector<1000x128xf32>
    %max3A_84 = arith.maximumf %add3A_81, %max3A_83 : vector<1000x128xf32>
    %swap3A = arith.constant 0 : index
    %swap3A_85 = arith.constant 0 : index
    %swap3A_86 = vector.load %arg9[%swap3A, %swap3A_85] : memref<1000x128xf32, #tpu.memory_space<vmem>>, vector<1000x128xf32>
    tpu.vector_store %arg9[%swap3A, %swap3A_85], %max3A_84 {strides = array<i32>} : memref<1000x128xf32, #tpu.memory_space<vmem>>, vector<1000x128xf32>,
    return
  }
  func.func @transform_0(%arg0: i32) -> (i32, i32) {
    %c0_i32 = arith.constant 0 : i32
    %c0_i32_0 = arith.constant 0 : i32
    return %arg0, %c0_i32 : i32, i32
  }
  func.func @transform_1(%arg0: i32) -> (i32, i32, i32) {
    %c0_i32 = arith.constant 0 : i32
    %c0_i32_0 = arith.constant 0 : i32
    %c0_i32_1 = arith.constant 0 : i32
    return %c0_i32, %arg0, %c0_i32_0 : i32, i32, i32
  }
  func.func @transform_2(%arg0: i32) -> (i32, i32, i32) {
    %c0_i32 = arith.constant 0 : i32
    %c0_i32_0 = arith.constant 0 : i32
    %c0_i32_1 = arith.constant 0 : i32
    return %c0_i32, %arg0, %c0_i32_0 : i32, i32, i32
  }
  func.func @transform_3(%arg0: i32) -> (i32, i32, i32) {
    %c0_i32 = arith.constant 0 : i32
    %c0_i32_0 = arith.constant 0 : i32
    %c0_i32_1 = arith.constant 0 : i32
    return %c0_i32, %arg0, %c0_i32_0 : i32, i32, i32
  }
  func.func @transform_4(%arg0: i32) -> (i32, i32) {
    %c0_i32 = arith.constant 0 : i32
    %c0_i32_0 = arith.constant 0 : i32
    %c0_i32_1 = arith.constant 0 : i32
    return %c0_i32, %c0_i32_0 : i32, i32
  }
  func.func @transform_5(%arg0: i32) -> (i32, i32) {
    %c0_i32 = arith.constant 0 : i32
    %c0_i32_0 = arith.constant 0 : i32
    %c0_i32_1 = arith.constant 0 : i32
    return %c0_i32, %c0_i32_0 : i32, i32
  }
  func.func @transform_6(%arg0: i32) -> (i32, i32) {
    %c0_i32 = arith.constant 0 : i32
    %c0_i32_0 = arith.constant 0 : i32
    %c0_i32_1 = arith.constant 0 : i32
    return %c0_i32, %c0_i32_0 : i32, i32
  }
  func.func @transform_7(%arg0: i32) -> (i32, i32) {
    %c0_i32 = arith.constant 0 : i32
    %c0_i32_0 = arith.constant 0 : i32
    %c0_i32_1 = arith.constant 0 : i32
    return %c0_i32, %c0_i32_0 : i32, i32
  }
  func.func @transform_8(%arg0: i32) -> (i32, i32) {
    %c0_i32 = arith.constant 0 : i32
    %c0_i32_0 = arith.constant 0 : i32
    return %arg0, %c0_i32 : i32, i32
  }
}

module attributes {stable_mosaic.version = 14 : i64} {
  func.func @_l2_combine_kernel(%arg0: i32, %arg1: memref<1000x128xf32, #tpu.memory_space<vmem>>, %arg2: memref<2x1000x64xf32, #tpu.memory_space<vmem>>, %arg3: memref<2x1000x32xf32, #tpu.memory_space<vmem>>, %arg4: memref<144x256xf32, #tpu.memory_space<vmem>>, %arg5: memref<1x256xf32, #tpu.memory_space<vmem>>, %arg6: memref<384x256xf32, #tpu.memory_space<vmem>>, %arg7: memref<1x256xf32, #tpu.memory_space<vmem>>, %arg8: memref<1000x256xf32, #tpu.memory_space<vmem>>) attributes {dimension_semantics = [#tpu.dimension_semantics<arbitrary>], iteration_bounds = array<i64: 10>, scalar_prefetch = 0 : i64, scratch_operands = 0 : i64, tpu.core_type = #tpu.core_type<tc>, window_params = [{transform_indices = @transform_0, window_bounds = array<i64: 1000, 128>}, {transform_indices = @transform_1, window_bounds = array<i64: 2, 1000, 64>}, {transform_indices = @transform_2, window_bounds = array<i64: 2, 1000, 32>}, {pipeline_mode = #tpu.pipeline_mode<synchronous>, transform_indices = @transform_3, window_bounds = array<i64: 144, 256>}, {pipeline_mode = #tpu.pipeline_mode<synchronous>, transform_indices = @transform_4, window_bounds = array<i64: 1, 256>}, {pipeline_mode = #tpu.pipeline_mode<synchronous>, transform_indices = @transform_5, window_bounds = array<i64: 384, 256>}, {pipeline_mode = #tpu.pipeline_mode<synchronous>, transform_indices = @transform_6, window_bounds = array<i64: 1, 256>}, {transform_indices = @transform_7, window_bounds = array<i64: 1000, 256>}]} {
    %get3A = arith.constant 0 : index
    %get3A_0 = arith.constant 0 : index
    %get3A_1 = vector.load %arg1[%get3A, %get3A_0] : memref<1000x128xf32, #tpu.memory_space<vmem>>, vector<1000x128xf32>
    %get3A_2 = arith.constant 0 : index
    %get3A_3 = arith.constant 0 : index
    %get3A_4 = arith.constant 0 : index
    %get3A_5 = vector.load %arg3[%get3A_2, %get3A_3, %get3A_4] : memref<2x1000x32xf32, #tpu.memory_space<vmem>>, vector<1x1000x32xf32>
    %get3A_6 = vector.shape_cast %get3A_5 : vector<1x1000x32xf32> to vector<1000x32xf32>
    %get3A_7 = arith.constant 1 : index
    %get3A_8 = arith.constant 0 : index
    %get3A_9 = arith.constant 0 : index
    %get3A_10 = vector.load %arg3[%get3A_7, %get3A_8, %get3A_9] : memref<2x1000x32xf32, #tpu.memory_space<vmem>>, vector<1x1000x32xf32>
    %get3A_11 = vector.shape_cast %get3A_10 : vector<1x1000x32xf32> to vector<1000x32xf32>
    %add3A = arith.addf %get3A_6, %get3A_11 : vector<1000x32xf32>
    %get3A_12 = arith.constant 0 : index
    %get3A_13 = arith.constant 0 : index
    %get3A_14 = vector.load %arg4[%get3A_12, %get3A_13] : memref<144x256xf32, #tpu.memory_space<vmem>>, vector<144x256xf32>
    %slice3A = vector.extract_strided_slice %add3A {offsets = [0, 16], sizes = [1000, 1], strides = [1, 1]} : vector<1000x32xf32> to vector<1000x1xf32>
    %squeeze3A = vector.shape_cast %slice3A : vector<1000x1xf32> to vector<1000xf32>
    %slice3A_15 = vector.extract_strided_slice %add3A {offsets = [0, 0], sizes = [1000, 16], strides = [1, 1]} : vector<1000x32xf32> to vector<1000x16xf32>
    %max3A = arith.constant 1.000000e+00 : f32
    %max3A_16 = vector.broadcast %max3A : f32 to vector<1000xf32>
    %max3A_17 = arith.maximumf %squeeze3A, %max3A_16 : vector<1000xf32>
    %div3A = arith.constant 1.000000e+00 : f32
    %div3A_18 = vector.broadcast %div3A : f32 to vector<1000xf32>
    %div3A_19 = arith.divf %div3A_18, %max3A_17 : vector<1000xf32>
    %get3A_20 = arith.constant 0 : index
    %get3A_21 = arith.constant 0 : index
    %get3A_22 = arith.constant 0 : index
    %get3A_23 = vector.load %arg2[%get3A_20, %get3A_21, %get3A_22] : memref<2x1000x64xf32, #tpu.memory_space<vmem>>, vector<1x1000x64xf32>
    %get3A_24 = vector.shape_cast %get3A_23 : vector<1x1000x64xf32> to vector<1000x64xf32>
    %slice3A_25 = vector.extract_strided_slice %get3A_14 {offsets = [0, 0], sizes = [64, 256], strides = [1, 1]} : vector<144x256xf32> to vector<64x256xf32>
    %dot_general3A = arith.constant dense<0.000000e+00> : vector<1000x256xf32>
    %dot_general3A_26 = tpu.matmul %get3A_24, %slice3A_25, %dot_general3A {dimension_numbers = #tpu.dot_dimension_numbers<[1], [0], [0], [1], [0, 0, 1, 1], [], []>, transpose_lhs_hint = false} : vector<1000x64xf32>, vector<64x256xf32>, vector<1000x256xf32> -> vector<1000x256xf32>
    %get3A_27 = arith.constant 1 : index
    %get3A_28 = arith.constant 0 : index
    %get3A_29 = arith.constant 0 : index
    %get3A_30 = vector.load %arg2[%get3A_27, %get3A_28, %get3A_29] : memref<2x1000x64xf32, #tpu.memory_space<vmem>>, vector<1x1000x64xf32>
    %get3A_31 = vector.shape_cast %get3A_30 : vector<1x1000x64xf32> to vector<1000x64xf32>
    %slice3A_32 = vector.extract_strided_slice %get3A_14 {offsets = [64, 0], sizes = [64, 256], strides = [1, 1]} : vector<144x256xf32> to vector<64x256xf32>
    %dot_general3A_33 = arith.constant dense<0.000000e+00> : vector<1000x256xf32>
    %dot_general3A_34 = tpu.matmul %get3A_31, %slice3A_32, %dot_general3A_33 {dimension_numbers = #tpu.dot_dimension_numbers<[1], [0], [0], [1], [0, 0, 1, 1], [], []>, transpose_lhs_hint = false} : vector<1000x64xf32>, vector<64x256xf32>, vector<1000x256xf32> -> vector<1000x256xf32>
    %add3A_35 = arith.addf %dot_general3A_26, %dot_general3A_34 : vector<1000x256xf32>
    %slice3A_36 = vector.extract_strided_slice %get3A_14 {offsets = [128, 0], sizes = [16, 256], strides = [1, 1]} : vector<144x256xf32> to vector<16x256xf32>
    %dot_general3A_37 = arith.constant dense<0.000000e+00> : vector<1000x256xf32>
    %dot_general3A_38 = tpu.matmul %slice3A_15, %slice3A_36, %dot_general3A_37 {dimension_numbers = #tpu.dot_dimension_numbers<[1], [0], [0], [1], [0, 0, 1, 1], [], []>, transpose_lhs_hint = false} : vector<1000x16xf32>, vector<16x256xf32>, vector<1000x256xf32> -> vector<1000x256xf32>
    %add3A_39 = arith.addf %add3A_35, %dot_general3A_38 : vector<1000x256xf32>
    %broadcast_in_dim3A = vector.shape_cast %squeeze3A : vector<1000xf32> to vector<1000x1xf32>
    %get3A_40 = arith.constant 0 : index
    %get3A_41 = arith.constant 0 : index
    %get3A_42 = vector.load %arg5[%get3A_40, %get3A_41] : memref<1x256xf32, #tpu.memory_space<vmem>>, vector<1x256xf32>
    %mul3A = vector.broadcast %broadcast_in_dim3A : vector<1000x1xf32> to vector<1000x256xf32>
    %mul3A_43 = vector.broadcast %get3A_42 : vector<1x256xf32> to vector<1000x256xf32>
    %mul3A_44 = arith.mulf %mul3A, %mul3A_43 : vector<1000x256xf32>
    %add3A_45 = arith.addf %add3A_39, %mul3A_44 : vector<1000x256xf32>
    %broadcast_in_dim3A_46 = vector.shape_cast %div3A_19 : vector<1000xf32> to vector<1000x1xf32>
    %mul3A_47 = vector.broadcast %broadcast_in_dim3A_46 : vector<1000x1xf32> to vector<1000x256xf32>
    %mul3A_48 = arith.mulf %add3A_45, %mul3A_47 : vector<1000x256xf32>
    %get3A_49 = arith.constant 0 : index
    %get3A_50 = arith.constant 0 : index
    %get3A_51 = vector.load %arg6[%get3A_49, %get3A_50] : memref<384x256xf32, #tpu.memory_space<vmem>>, vector<384x256xf32>
    %slice3A_52 = vector.extract_strided_slice %get3A_51 {offsets = [0, 0], sizes = [128, 256], strides = [1, 1]} : vector<384x256xf32> to vector<128x256xf32>
    %dot_general3A_53 = arith.constant dense<0.000000e+00> : vector<1000x256xf32>
    %dot_general3A_54 = tpu.matmul %get3A_1, %slice3A_52, %dot_general3A_53 {dimension_numbers = #tpu.dot_dimension_numbers<[1], [0], [0], [1], [0, 0, 1, 1], [], []>, transpose_lhs_hint = false} : vector<1000x128xf32>, vector<128x256xf32>, vector<1000x256xf32> -> vector<1000x256xf32>
    %slice3A_55 = vector.extract_strided_slice %get3A_51 {offsets = [128, 0], sizes = [256, 256], strides = [1, 1]} : vector<384x256xf32> to vector<256x256xf32>
    %dot_general3A_56 = arith.constant dense<0.000000e+00> : vector<1000x256xf32>
    %dot_general3A_57 = tpu.matmul %mul3A_48, %slice3A_55, %dot_general3A_56 {dimension_numbers = #tpu.dot_dimension_numbers<[1], [0], [0], [1], [0, 0, 1, 1], [], []>, transpose_lhs_hint = false} : vector<1000x256xf32>, vector<256x256xf32>, vector<1000x256xf32> -> vector<1000x256xf32>
    %add3A_58 = arith.addf %dot_general3A_54, %dot_general3A_57 : vector<1000x256xf32>
    %get3A_59 = arith.constant 0 : index
    %get3A_60 = arith.constant 0 : index
    %get3A_61 = vector.load %arg7[%get3A_59, %get3A_60] : memref<1x256xf32, #tpu.memory_space<vmem>>, vector<1x256xf32>
    %add3A_62 = vector.broadcast %get3A_61 : vector<1x256xf32> to vector<1000x256xf32>
    %add3A_63 = arith.addf %add3A_58, %add3A_62 : vector<1000x256xf32>
    %max3A_64 = arith.constant 0.000000e+00 : f32
    %max3A_65 = vector.broadcast %max3A_64 : f32 to vector<1000x256xf32>
    %max3A_66 = arith.maximumf %add3A_63, %max3A_65 : vector<1000x256xf32>
    %swap3A = arith.constant 0 : index
    %swap3A_67 = arith.constant 0 : index
    %swap3A_68 = vector.load %arg8[%swap3A, %swap3A_67] : memref<1000x256xf32, #tpu.memory_space<vmem>>, vector<1000x256xf32>
    tpu.vector_store %arg8[%swap3A, %swap3A_67], %max3A_66 {strides = array<i32>} : memref<1000x256xf32, #tpu.memory_space<vmem>>, vector<1000x256xf32>,
    return
  }
  func.func @transform_0(%arg0: i32) -> (i32, i32) {
    %c0_i32 = arith.constant 0 : i32
    %c0_i32_0 = arith.constant 0 : i32
    return %arg0, %c0_i32 : i32, i32
  }
  func.func @transform_1(%arg0: i32) -> (i32, i32, i32) {
    %c0_i32 = arith.constant 0 : i32
    %c0_i32_0 = arith.constant 0 : i32
    %c0_i32_1 = arith.constant 0 : i32
    return %c0_i32, %arg0, %c0_i32_0 : i32, i32, i32
  }
  func.func @transform_2(%arg0: i32) -> (i32, i32, i32) {
    %c0_i32 = arith.constant 0 : i32
    %c0_i32_0 = arith.constant 0 : i32
    %c0_i32_1 = arith.constant 0 : i32
    return %c0_i32, %arg0, %c0_i32_0 : i32, i32, i32
  }
  func.func @transform_3(%arg0: i32) -> (i32, i32) {
    %c0_i32 = arith.constant 0 : i32
    %c0_i32_0 = arith.constant 0 : i32
    %c0_i32_1 = arith.constant 0 : i32
    return %c0_i32, %c0_i32_0 : i32, i32
  }
  func.func @transform_4(%arg0: i32) -> (i32, i32) {
    %c0_i32 = arith.constant 0 : i32
    %c0_i32_0 = arith.constant 0 : i32
    %c0_i32_1 = arith.constant 0 : i32
    return %c0_i32, %c0_i32_0 : i32, i32
  }
  func.func @transform_5(%arg0: i32) -> (i32, i32) {
    %c0_i32 = arith.constant 0 : i32
    %c0_i32_0 = arith.constant 0 : i32
    %c0_i32_1 = arith.constant 0 : i32
    return %c0_i32, %c0_i32_0 : i32, i32
  }
  func.func @transform_6(%arg0: i32) -> (i32, i32) {
    %c0_i32 = arith.constant 0 : i32
    %c0_i32_0 = arith.constant 0 : i32
    %c0_i32_1 = arith.constant 0 : i32
    return %c0_i32, %c0_i32_0 : i32, i32
  }
  func.func @transform_7(%arg0: i32) -> (i32, i32) {
    %c0_i32 = arith.constant 0 : i32
    %c0_i32_0 = arith.constant 0 : i32
    return %arg0, %c0_i32 : i32, i32
  }
}

</mosaic_0001>

<sc_bundles>
// kernel: kernel.11.cloned.1.call-start
scs
__scs_entry_jumppad:
0x0: {  	(pc) =	sbr.rel $0x88, $3  }
0x1: {  	(tag) =	ssettag $0x0;
	lr =	simm.s32 $0x1  }
0x2: {  	[smem:$0x3F96] =	sst lr;
	_ =	strace $0xD0000000  }
0x3: {  	_ = 	snop  }
0x4: {  	_ = 	snop  }
0x5: {  	_ = 	snop  }
0x6: {  	_ = 	snop  }
0x7: {  	_ = 	snop  }
__scs_overlays_trampoline_lowered:
0x8: {  	[smem:$0x3FA5] =	sst s0  }
0x9: {  	[smem:$0x3FA6] =	sst s1  }
0xa: {  	[smem:$0x3FA7] =	sst s2  }
0xb: {  	[smem:$0x3FA8] =	sst s3  }
0xc: {  	[smem:$0x3FA9] =	sst s4  }
0xd: {  	[smem:$0x3FAA] =	sst s5  }
0xe: {  	[smem:$0x3FAB] =	sst s6  }
0xf: {  	[smem:$0x3FAC] =	sst s7  }
0x10: {  	[smem:$0x3FAD] =	sst s8  }
0x11: {  	[smem:$0x3FAE] =	sst s9;
	s0 =	simm.s32 @!p0 $0x0  }
0x12: {  	s1 =	sld [smem:$0x3F94];
	s0 =	simm.s32 @p0 $0x1  }
0x13: {  	[smem:$0x3FAF] =	sst s0;
	s0 =	simm.s32 @!p1 $0x0  }
0x14: {  	s2 =	sld [smem:$0x3F93];
	s0 =	simm.s32 @p1 $0x1  }
0x15: {  	[smem:$0x3FB0] =	sst s0;
	s0 =	simm.s32 @!p2 $0x0  }
0x16: {  	s3 =	sld [smem:$0x3FDB];
	s0 =	simm.s32 @p2 $0x1  }
0x17: {  	s4 =	simm.s32 $0x1BF5;
	[smem:$0x3FB2] =	sst s0  }
0x18: {  	s0 =	sld [smem:$0x3F95];
	_ =	swait.ge [sflag:s4], $0x0  }
0x19: {  	s7 =	sld [smem:$0x3F96]  }
0x1a: {  	s8 =	sadd.s32 $0xFFFFE003, lr  }
0x1b: {  	s9 =	sadd.s32 $0xFFFFFEF7, lr;
	s5 =	simm.s32 $0xFFFFFFFF;
	p2 =	slt.u32 s8, $0xFFFFF086  }
0x1c: {  	p1 =	slt.u32 s9, $0xF7A;
	s5 =	simm.s32 @!p2 $0x0  }
0x1d: {  	s5 =	simm.s32 @p1 $0x1;
	p0 =	seq.s32 s7, s2  }
0x1e: {  	s7 =	smul.u32 @!p0 $0xF7A, s2;
	p2 =	seq.s32 @!p0 s5, $0x0  }
0x1f: {  	s9 =	smul.u32 $0xF7A, s1;
	s8 =	simm.s32 @!p0 $0x1BF5;
	p2 =	por !p2, p0  }
0x20: {  	[sflag:s8] =	ssyncset.s32 @!p0 $0xFFFFF086;
	s6 =	sadd.s32 @!p0 s3, s7;
	s7 =	simm.s32 @!p0 $0x108  }
0x21: {  	s3 =	sadd.s32 s3, s9;
	s6 =	sadd.s32 @!p0 $0x88, s6;
	s7 =	simm.s32 @p2 $0x1082  }
0x22: {  	[simem:s7], [sflag:s8] =	dma.local @!p0 [hbm:s6], $0xF7A  }
0x23: {  	s9 =	sor.u32 $0xD0000000, s2;
	s6 =	simm.s32 $0x108;
	_ =	swait.ge @!p0 [sflag:s8], $0x0  }
0x24: {  	s3 =	sadd.s32 $0x88, s3;
	s6 =	simm.s32 @!p1 $0x1082;
	[sflag:s4] =	ssyncset.s32 $0xFFFFF086  }
0x25: {  	[simem:s6], [sflag:s4] =	dma.local [hbm:s3], $0xF7A  }
0x26: {  	[smem:$0x3F96] =	sst s1;
	(tag) =	ssettag s2;
	_ =	strace s9  }
0x27: {  	s1 =	sld [smem:$0x3FA6]  }
0x28: {  	s2 =	sld [smem:$0x3FA7]  }
0x29: {  	s4 =	sld [smem:$0x3FA9]  }
0x2a: {  	p0 =	seq.s32 s5, $0x0;
	s5 =	sld [smem:$0x3FAA]  }
0x2b: {  	s6 =	sld [smem:$0x3FAB]  }
0x2c: {  	s7 =	sld [smem:$0x3FAC]  }
0x2d: {  	s3 =	simm.s32 $0x108;
	s8 =	sld [smem:$0x3FAD]  }
0x2e: {  	s3 =	simm.s32 @!p0 $0x1082;
	s9 =	sld [smem:$0x3FAE]  }
0x2f: {  	lr =	sadd.s32 s0, s3;
	s0 =	sld [smem:$0x3FA5]  }
0x30: {  	s3 =	sld [smem:$0x3FA8]  }
0x31: {  	[smem:$0x3FB1] =	sst s10  }
0x32: {  	s10 =	sld [smem:$0x3FAF];
	_ =	sdelay $0x3  }
0x33: {  	p0 =	seq.s32 s10, $0x1;
	s10 =	sld [smem:$0x3FB1];
	_ =	sdelay $0x3  }
0x34: {  	[smem:$0x3FB1] =	sst s10  }
0x35: {  	s10 =	sld [smem:$0x3FB0];
	_ =	sdelay $0x3  }
0x36: {  	p1 =	seq.s32 s10, $0x1;
	s10 =	sld [smem:$0x3FB1];
	_ =	sdelay $0x3  }
0x37: {  	[smem:$0x3FB1] =	sst s10  }
0x38: {  	s10 =	sld [smem:$0x3FB2]  }
0x39: {  	_ = 	snop;
	(pc) =	sbr.ind lr, $3  }
0x3a: {  	_ = 	snop  }
0x3b: {  	_ = 	snop  }
0x3c: {  	p2 =	seq.s32 s10, $0x1;
	s10 =	sld [smem:$0x3FB1]  }
0x3d: {  	_ =	shalt  }
0x3e: {  	_ =	shalt  }
0x3f: {  	_ =	shalt  }
0x40: {  	_ =	shalt  }
0x41: {  	_ =	shalt  }
0x42: {  	_ =	shalt  }
0x43: {  	_ =	shalt  }
0x44: {  	_ =	shalt  }
0x45: {  	_ =	shalt  }
0x46: {  	_ =	shalt  }
0x47: {  	_ =	shalt  }
0x48: {  	_ =	shalt  }
0x49: {  	_ =	shalt  }
0x4a: {  	_ =	shalt  }
0x4b: {  	_ =	shalt  }
0x4c: {  	_ =	shalt  }
0x4d: {  	_ =	shalt  }
0x4e: {  	_ =	shalt  }
0x4f: {  	_ =	shalt  }
0x50: {  	_ =	shalt  }
0x51: {  	_ =	shalt  }
0x52: {  	_ =	shalt  }
0x53: {  	_ =	shalt  }
0x54: {  	_ =	shalt  }
0x55: {  	_ =	shalt  }
0x56: {  	_ =	shalt  }
0x57: {  	_ =	shalt  }
0x58: {  	_ =	shalt  }
0x59: {  	_ =	shalt  }
0x5a: {  	_ =	shalt  }
0x5b: {  	_ =	shalt  }
0x5c: {  	_ =	shalt  }
0x5d: {  	_ =	shalt  }
0x5e: {  	_ =	shalt  }
0x5f: {  	_ =	shalt  }
0x60: {  	_ =	shalt  }
0x61: {  	_ =	shalt  }
0x62: {  	_ =	shalt  }
0x63: {  	_ =	shalt  }
0x64: {  	_ =	shalt  }
0x65: {  	_ =	shalt  }
0x66: {  	_ =	shalt  }
0x67: {  	_ =	shalt  }
0x68: {  	_ =	shalt  }
0x69: {  	_ =	shalt  }
0x6a: {  	_ =	shalt  }
0x6b: {  	_ =	shalt  }
0x6c: {  	_ =	shalt  }
0x6d: {  	_ =	shalt  }
0x6e: {  	_ =	shalt  }
0x6f: {  	_ =	shalt  }
0x70: {  	_ =	shalt  }
0x71: {  	_ =	shalt  }
0x72: {  	_ =	shalt  }
0x73: {  	_ =	shalt  }
0x74: {  	_ =	shalt  }
0x75: {  	_ =	shalt  }
0x76: {  	_ =	shalt  }
0x77: {  	_ =	shalt  }
0x78: {  	_ =	shalt  }
0x79: {  	_ =	shalt  }
0x7a: {  	_ =	shalt  }
0x7b: {  	_ =	shalt  }
0x7c: {  	_ =	shalt  }
0x7d: {  	_ =	shalt  }
0x7e: {  	_ =	shalt  }
0x7f: {  	_ =	shalt  }
0x80: {  	_ =	shalt  }
0x81: {  	_ =	shalt  }
0x82: {  	_ =	shalt  }
0x83: {  	_ =	shalt  }
0x84: {  	_ =	shalt  }
0x85: {  	_ =	shalt  }
0x86: {  	_ =	shalt  }
0x87: {  	_ =	shalt  }
.Lfunc_end0:
.L_simem_size_0:
called_computation.1_lowered:
.L_overlay_start_0:
0x88: {  	s2 =	sld [smem:$0x3FD9]  }
0x89: {  	s3 =	sld [smem:$0x3FFE];
	_ =	sdelay $0x1  }
0x8a: {  	s1 =	srdreg.scid  }
0x8b: {  	s0 =	sand.u32 $0x1, s1  }
0x8c: {  	s17 =	sshll.u32 s0, $0xA;
	s2 =	sadd.s32 s3, s2  }
0x8d: {  	s2 =	sadd.s32 s2, s17  }
0x8e: {  	[smem:$0x3FBD] =	sst s2  }
0x8f: {  	_ = 	snop  }
0x90: {  	s2 =	sld [smem:$0x3FD0];
	(tm) =	ssettm $0x1  }
0x91: {  	s18 =	sld [smem:$0x3FFB];
	_ =	sdelay $0x3  }
0x92: {  	_ =	strace s18  }
0x93: {  	s3 =	sld [smem:$0x3FFC];
	_ =	sdelay $0x3  }
0x94: {  	_ =	strace s3  }
0x95: {  	s3 =	sld [smem:$0x3FFD];
	_ =	sdelay $0x3  }
0x96: {  	_ =	strace s3  }
0x97: {  	_ =	strace $0x8FFFFFFF  }
0x98: {  	s19 =	sld [smem:$0x3FDB];
	_ =	sdelay $0x1  }
0x99: {  	s4 =	simm.s32 $_scs_section_size  }
0x9a: {  	s5 =	simm.s32 $_size__tile_overlayer_lowered;
	s6 =	simm.s32 $_tile_overlayer_lowered  }
0x9b: {  	s22 =	simm.s32 $0x1BFF;
	s21 =	sshll.u32 s6, $0x1;
	s3 =	sadd.s32 s4, s19  }
0x9c: {  	s7 =	simm.s32 $0x0;
	s20 =	sshll.u32 s5, $0x1;
	s5 =	sadd.s32 s21, s3  }
0x9d: {  	[timem:s7], [sflag:s22] =	dma.local [hbm:s5], s20  }
0x9e: {  	_ =	swait.ge [sflag:s22], s20  }
0x9f: {  	s4 =	ssub.s32 $0x0, s20;
	[sflag:s22] =	ssyncset.done $0x0  }
0xa0: {  	[sflag:s22] =	ssyncadd.s32 s4;
	_ =	sdelay $0x1  }
0xa1: {  	s23 =	simm.s32 $0x1B8B  }
0xa2: {  	_ =	swait.ge [sflag:s23], $0x1  }
0xa3: {  	[sflag:s23] =	ssyncset.done $0x0  }
0xa4: {  	s25 =	simm.s32 $0x1B8E;
	s24 =	sld [smem:$0x3FFE];
	[sflag:s23] =	ssyncadd.s32 $0xFFFFFFFF  }
0xa5: {  	s26 =	simm.s32 $execute0_lowered;
	[smem:$0x3FD2] =	sst s25  }
0xa6: {  	s5 =	sshll.u32 s26, $0x1;
	_ =	strace $0x80000046;
	[dreg:$0x1] =	wrdreg $0xFFFFFFFF  }
0xa7: {  	s28 =	simm.s32 $_size_execute0_lowered;
	s3 =	sadd.s32 s3, s5;
	[dreg:$0x0] =	wrdreg $0x0  }
0xa8: {  	s5 =	sshll.u32 s28, $0x1;
	[dreg:$0x2] =	wrdreg s3  }
0xa9: {  	[dreg:$0x3] =	wrdreg s5  }
0xaa: {  	[dreg:$0x4] =	wrdreg $0xC0  }
0xab: {  	_ =	task [dreg:s7], $0x5FFFF  }
0xac: {  	[dreg:$0x1] =	wrdreg $0xFFFFFFFF  }
0xad: {  	[dreg:$0x0] =	wrdreg $0x60  }
0xae: {  	[dreg:$0x2] =	wrdreg s2  }
0xaf: {  	[dreg:$0x3] =	wrdreg s24  }
0xb0: {  	[dreg:$0x4] =	wrdreg $0x90000  }
0xb1: {  	[dreg:$0x5] =	wrdreg $0xA  }
0xb2: {  	_ =	task.clear_ibuf [dreg:s7], $0x6FFFF;
	_ =	strace $0x90000046  }
0xb3: {  	s29 =	simm.s32 $0xA;
	_ =	strace $0x80000048  }
0xb4: {  	_ =	swait.ge [sflag:s29], $0x1  }
0xb5: {  	[sflag:s29] =	ssyncadd.s32 $0xFFFFFFFF  }
0xb6: {  	_ =	strace $0x90000048  }
0xb7: {  	_ =	sfence  }
0xb8: {  	s30 =	sld [smem:$0x0];
	_ =	sdelay $0x2  }
0xb9: {  	s31 =	sshll.u32 s1, $0xD;
	s1 =	sshrl.u32 s1, $0x2  }
0xba: {  	s3 =	sand.u32 $0x4000, s31;
	s1 =	sadd.s32 s1, s30  }
0xbb: {  	s0 =	sor.u32 s3, s0;
	s1 =	sshll.u32 s1, $0x11  }
0xbc: {  	s0 =	sor.u32 s1, s0  }
0xbd: {  	s0 =	sadd.s32 $0x8F2B, s0  }
0xbe: {  	[sflag:s0] =	ssyncadd.remote.s32 $0x1  }
0xbf: {  	_ =	sfence.sel $0xFFFF  }
0xc0: {  	[dreg:$0x0] =	wrdreg $0xFFFFFFFF;
	(pc) =	sbr.abs _section_cstart, $3  }
0xc1: {  	[dreg:$0x1] =	wrdreg $0xFFFFFFFF  }
0xc2: {  	_ =	task.clear_ibuf [dreg:s7], $0x2FFFF;
	_ =	strace $0x9FFFFFFF  }
0xc3: {  	(tm) =	ssettm $0x7FFFFFFF  }
tec
execute0_lowered:
.L_overlay_start_1:
0x0: {  	(tag) =	ssettag $0x1  }
0x1: {  	s1 =	rddreg [dreg:$0x0]  }
0x2: {  	s2 =	srdreg.scid;
	s6 =	rddreg [dreg:$0x1]  }
0x3: {  	s0 =	stileid.u32;
	s3 =	rddreg [dreg:$0x2]  }
0x4: {  	s4 =	simm.s32 $0x0;
	s15 =	simm.s32 $0x5000;
	s16 =	simm.s32 $0x7000  }
0x5: {  	s17 =	simm.s32 $0x1;
	s18 =	simm.s32 $0x2;
	s19 =	simm.s32 $0x4F00  }
0x6: {  	s20 =	simm.s32 $0x4F80;
	s21 =	simm.s32 $0x0;
	s5 =	smul.u32 $0x2800, s0  }
0x7: {  	s7 =	sand.u32 $0x1, s2;
	s2 =	rddreg [dreg:$0x3];
	s9 =	smul.u32 $0x9E00, s0  }
0x8: {  	[smem:$0x7FF] =	sst s4;
	s12 =	sshll.u32 s0, $0x6;
	s8 =	smul.u32 $0x28000, s7  }
0x9: {  	s10 =	smul.u32 $0x9E000, s7;
	_ =	strace $0x80000047;
	s7 =	ssub.s32 $0x2, s7  }
0xa: {  	s31 =	sshrl.u32 s7, $0x1;
	s14 =	sadd.s32 s9, s3;
	s8 =	sadd.s32 s5, s8  }
0xb: {  	s5 =	sshrl.u32 s5, $0x3;
	s10 =	sadd.s32 s9, s10;
	s13 =	ssub.s32 s7, s31  }
0xc: {  	s8 =	sshrl.u32 s8, $0x3;
	s11 =	sadd.s32 s5, s6;
	s10 =	sshrl.u32 s10, $0x3  }
0xd: {  	s5 =	sadd.s32 $0x27400, s6;
	s8 =	sadd.s32 s8, s6;
	s10 =	sadd.s32 s10, s6  }
0xe: {  	s6 =	sor.u32 $0x1C03, s12;
	s12 =	simm.s32 $0x3;
	s7 =	sadd.s32 $0x13400, s8  }
0xf: {  	s8 =	sadd.s32 $0xE400, s11;
	s9 =	sadd.s32 $0x28800, s10;
	s10 =	smax.u32 s13, $0x1  }
0x10: {  	s11 =	sshrl.u32 s14, $0x3;
	s13 =	simm.s32 $0x2800;
	s14 =	simm.s32 $0x80  }
.LBB2_1:
0x11: {  	[spmem:s11], [sflag:s6] =	dma.local [hbm:s5], $0x13C0  }
0x12: {  	_ =	swait.ge [sflag:s12], $0x13C0  }
0x13: {  	[sflag:s12] =	ssyncset.done $0x0  }
0x14: {  	[sflag:s12] =	ssyncadd.s32 $0xFFFFEC40  }
0x15: {  	[tilespmem:s4], [sflag:$0x3] =	stream.linear.gather [hbm4b:s7+s4], $0x2800, $0x38;
	[tilespmem:$0x12E00] =	vst v63  }
0x16: {  	_ =	swait.ge [sflag:s12], $0x2800  }
0x17: {  	[sflag:s12] =	ssyncset.done $0x0  }
0x18: {  	[sflag:s12] =	ssyncadd.s32 $0xFFFFD800  }
0x19: {  	[tilespmem:s13], [sflag:$0x3] =	stream.linear.gather [hbm4b:s8+s4], $0x2800, $0x38;
	[tilespmem:$0x12E00] =	vst v63  }
0x1a: {  	_ =	swait.ge [sflag:s12], $0x2800  }
0x1b: {  	[sflag:s12] =	ssyncset.done $0x0  }
0x1c: {  	[sflag:s12] =	ssyncadd.s32 $0xFFFFD800  }
0x1d: {  	[bflag:$0x0] =	sbarrier.arrive $0xFFFF  }
0x1e: {  	[tilespmem:s15], [sflag:$0x1] =	stream.indirect.gather [hbm4b:s1+s14], $0x40, s4, s14, $0xb8;
	[tilespmem:$0x12E00] =	vst v63  }
0x1f: {  	_ = 	snop  }
0x20: {  	[tilespmem:s16], [sflag:$0x2] =	stream.indirect.gather [hbm4b:s1+s14], $0x40, s14, s14, $0xb8;
	[tilespmem:$0x12E00] =	vst v63  }
0x21: {  	_ =	swait.ge [sflag:s17], $0x2000  }
0x22: {  	[sflag:s17] =	ssyncset.done $0x0  }
0x23: {  	s22 =	simm.s32 $0x2800;
	[sflag:s17] =	ssyncadd.s32 $0xFFFFE000  }
0x24: {  	[spmem:s3] =	stream.indirect.scatter.add.f32 [tilespmem:s15], [sflag:$0x3], $0x40, s22, s14, $0xb8;
	[tilespmem:$0x12E00] =	vst v63  }
0x25: {  	_ =	swait.ge [sflag:s12], $0x2000  }
0x26: {  	[sflag:s12] =	ssyncset.done $0x0  }
0x27: {  	s30 =	simm.s32 $0x100;
	[sflag:s12] =	ssyncadd.s32 $0xFFFFE000  }
0x28: {  	[tilespmem:s15], [sflag:$0x1] =	stream.indirect.gather [hbm4b:s1+s14], $0x40, s30, s14, $0xb8;
	[tilespmem:$0x12E00] =	vst v63  }
0x29: {  	_ =	swait.ge [sflag:s18], $0x2000  }
0x2a: {  	[sflag:s18] =	ssyncset.done $0x0  }
0x2b: {  	s31 =	simm.s32 $0x2880;
	[sflag:s18] =	ssyncadd.s32 $0xFFFFE000  }
0x2c: {  	[spmem:s3] =	stream.indirect.scatter.add.f32 [tilespmem:s16], [sflag:$0x3], $0x40, s31, s14, $0xb8;
	[tilespmem:$0x12E00] =	vst v63  }
0x2d: {  	_ =	swait.ge [sflag:s12], $0x2000  }
0x2e: {  	[sflag:s12] =	ssyncset.done $0x0  }
0x2f: {  	s23 =	simm.s32 $0x180;
	s22 =	simm.s32 $0x400;
	[sflag:s12] =	ssyncadd.s32 $0xFFFFE000  }
.LBB2_2:
0x30: {  	[tilespmem:s16], [sflag:$0x2] =	stream.indirect.gather [hbm4b:s1+s14], $0x40, s23, s14, $0xb8;
	[tilespmem:$0x12E00] =	vst v63  }
0x31: {  	s23 =	smov.u32 s22  }
0x32: {  	p0 =	sne.s32 s22, $0x9800;
	s22 =	sadd.s32 $0x400, s22;
	_ =	swait.ge [sflag:s17], $0x2000  }
0x33: {  	s23 =	sshra.s32 s23, $0x2;
	[sflag:s17] =	ssyncset.done $0x0  }
0x34: {  	s24 =	sadd.s32 $0x2800, s23;
	[sflag:s17] =	ssyncadd.s32 $0xFFFFE000  }
0x35: {  	[spmem:s3] =	stream.indirect.scatter.add.f32 [tilespmem:s15], [sflag:$0x3], $0x40, s24, s14, $0xb8;
	[tilespmem:$0x12E00] =	vst v63  }
0x36: {  	_ =	swait.ge [sflag:s12], $0x2000  }
0x37: {  	[sflag:s12] =	ssyncset.done $0x0  }
0x38: {  	s24 =	sadd.s32 $0x100, s23;
	[sflag:s12] =	ssyncadd.s32 $0xFFFFE000  }
0x39: {  	[tilespmem:s15], [sflag:$0x1] =	stream.indirect.gather [hbm4b:s1+s14], $0x40, s24, s14, $0xb8;
	[tilespmem:$0x12E00] =	vst v63  }
0x3a: {  	_ =	swait.ge [sflag:s18], $0x2000  }
0x3b: {  	[sflag:s18] =	ssyncset.done $0x0  }
.Ltmp0:
0x3c: {  	s24 =	sadd.s32 $0x2880, s23;
	[sflag:s18] =	ssyncadd.s32 $0xFFFFE000;
	(pc) =	sbr.rel @p0 .LBB2_2-.Ltmp0, $4  }
0x3d: {  	[spmem:s3] =	stream.indirect.scatter.add.f32 [tilespmem:s16], [sflag:$0x3], $0x40, s24, s14, $0xb8;
	[tilespmem:$0x12E00] =	vst v63  }
0x3e: {  	_ =	swait.ge [sflag:s12], $0x2000  }
0x3f: {  	[sflag:s12] =	ssyncset.done $0x0  }
0x40: {  	s23 =	sadd.s32 $0x180, s23;
	[sflag:s12] =	ssyncadd.s32 $0xFFFFE000  }
0x41: {  	[tilespmem:s16], [sflag:$0x2] =	stream.indirect.gather [hbm4b:s1+s14], $0x40, s23, s14, $0xb8;
	[tilespmem:$0x12E00] =	vst v63  }
0x42: {  	_ =	swait.ge [sflag:s17], $0x2000  }
0x43: {  	[sflag:s17] =	ssyncset.done $0x0  }
0x44: {  	[sflag:s17] =	ssyncadd.s32 $0xFFFFE000  }
0x45: {  	[spmem:s3] =	stream.indirect.scatter.add.f32 [tilespmem:s15], [sflag:$0x3], $0x40, s19, s14, $0xb8;
	[tilespmem:$0x12E00] =	vst v63  }
0x46: {  	_ =	swait.ge [sflag:s12], $0x2000  }
0x47: {  	[sflag:s12] =	ssyncset.done $0x0  }
0x48: {  	[sflag:s12] =	ssyncadd.s32 $0xFFFFE000  }
0x49: {  	_ =	swait.ge [sflag:s18], $0x2000  }
0x4a: {  	[sflag:s18] =	ssyncset.done $0x0  }
0x4b: {  	[sflag:s18] =	ssyncadd.s32 $0xFFFFE000  }
0x4c: {  	[spmem:s3] =	stream.indirect.scatter.add.f32 [tilespmem:s16], [sflag:$0x3], $0x40, s20, s14, $0xb8;
	[tilespmem:$0x12E00] =	vst v63  }
0x4d: {  	_ =	swait.ge [sflag:s12], $0x2000  }
0x4e: {  	s21 =	sadd.s32 $0x1, s21;
	[sflag:s12] =	ssyncset.done $0x0  }
0x4f: {  	p0 =	sne.s32 s21, s10;
	[sflag:s12] =	ssyncadd.s32 $0xFFFFE000  }
.Ltmp1:
0x50: {  	[bflag:$0x0] =	sbarrier.arrive $0xFFFF;
	(pc) =	sbr.rel @p0 .LBB2_1-.Ltmp1, $4  }
0x51: {  	[hbm:s9], [sflag:s6] =	dma.local [spmem:s11], $0x13C0  }
0x52: {  	_ =	swait.ge [sflag:s12], $0x13C0  }
0x53: {  	[sflag:s12] =	ssyncset.done $0x0  }
0x54: {  	[sflag:s12] =	ssyncadd.s32 $0xFFFFEC40  }
0x55: {  	_ =	sfence.sel $0x180000  }
0x56: {  	[bflag:$0x0] =	sbarrier.arrive $0xFFFF  }
0x57: {  	p0 =	sne.s32 s0, $0x0;
	_ =	strace $0x90000047  }
0x58: {  	s0 =	sadd.s32 @!p0 $0x100000, s2;
	[bflag:$0x2] =	sbarrier.arrive $0xFFFF  }
0x59: {  	[sflag:s0] =	ssyncadd.tile.s32 @!p0 $0x1;
	_ =	shalt  }
.Lfunc_end2:
_tile_overlayer_lowered:
.L_overlay_start_2:
0x5a: {  	(tag) =	ssettag $0x2  }
0x5b: {  	s0 =	rddreg [dreg:$0x0];
	s2 =	stileid.u32  }
0x5c: {  	s1 =	rddreg [dreg:$0x1];
	p0 =	sne.s32 s2, $0x0  }
0x5d: {  	s3 =	rddreg [dreg:$0x2];
	[bflag:$0x3] =	sbarrier.arrive $0xFFFF;
	s2 =	simm.s32 @!p0 $0x1C03  }
0x5e: {  	[timem:s3], [sflag:s2] =	dma.local @!p0 [hbm:s0], s1  }
0x5f: {  	s0 =	simm.s32 @!p0 $0x3  }
0x60: {  	_ =	swait.ge @!p0 [sflag:s0], s1  }
0x61: {  	s1 =	ssub.s32 @!p0 $0x0, s1;
	[sflag:s0] =	ssyncset.done @!p0 $0x0  }
0x62: {  	[sflag:s0] =	ssyncadd.s32 @!p0 s1  }
0x63: {  	[bflag:$0x3] =	sbarrier.arrive $0xFFFF  }
0x64: {  	_ =	shalt  }

// kernel: kernel.14.cloned.1.call-start
scs
__scs_entry_jumppad:
0x0: {  	(pc) =	sbr.rel $0x88, $3  }
0x1: {  	(tag) =	ssettag $0x0;
	lr =	simm.s32 $0x1  }
0x2: {  	[smem:$0x3F96] =	sst lr;
	_ =	strace $0xD0000000  }
0x3: {  	_ = 	snop  }
0x4: {  	_ = 	snop  }
0x5: {  	_ = 	snop  }
0x6: {  	_ = 	snop  }
0x7: {  	_ = 	snop  }
__scs_overlays_trampoline_lowered:
0x8: {  	[smem:$0x3FA5] =	sst s0  }
0x9: {  	[smem:$0x3FA6] =	sst s1  }
0xa: {  	[smem:$0x3FA7] =	sst s2  }
0xb: {  	[smem:$0x3FA8] =	sst s3  }
0xc: {  	[smem:$0x3FA9] =	sst s4  }
0xd: {  	[smem:$0x3FAA] =	sst s5  }
0xe: {  	[smem:$0x3FAB] =	sst s6  }
0xf: {  	[smem:$0x3FAC] =	sst s7  }
0x10: {  	[smem:$0x3FAD] =	sst s8  }
0x11: {  	[smem:$0x3FAE] =	sst s9;
	s0 =	simm.s32 @!p0 $0x0  }
0x12: {  	s1 =	sld [smem:$0x3F94];
	s0 =	simm.s32 @p0 $0x1  }
0x13: {  	[smem:$0x3FAF] =	sst s0;
	s0 =	simm.s32 @!p1 $0x0  }
0x14: {  	s2 =	sld [smem:$0x3F93];
	s0 =	simm.s32 @p1 $0x1  }
0x15: {  	[smem:$0x3FB0] =	sst s0;
	s0 =	simm.s32 @!p2 $0x0  }
0x16: {  	s3 =	sld [smem:$0x3FDB];
	s0 =	simm.s32 @p2 $0x1  }
0x17: {  	s4 =	simm.s32 $0x1BF5;
	[smem:$0x3FB2] =	sst s0  }
0x18: {  	s0 =	sld [smem:$0x3F95];
	_ =	swait.ge [sflag:s4], $0x0  }
0x19: {  	s7 =	sld [smem:$0x3F96]  }
0x1a: {  	s8 =	sadd.s32 $0xFFFFE003, lr  }
0x1b: {  	s9 =	sadd.s32 $0xFFFFFEF7, lr;
	s5 =	simm.s32 $0xFFFFFFFF;
	p2 =	slt.u32 s8, $0xFFFFF086  }
0x1c: {  	p1 =	slt.u32 s9, $0xF7A;
	s5 =	simm.s32 @!p2 $0x0  }
0x1d: {  	s5 =	simm.s32 @p1 $0x1;
	p0 =	seq.s32 s7, s2  }
0x1e: {  	s7 =	smul.u32 @!p0 $0xF7A, s2;
	p2 =	seq.s32 @!p0 s5, $0x0  }
0x1f: {  	s9 =	smul.u32 $0xF7A, s1;
	s8 =	simm.s32 @!p0 $0x1BF5;
	p2 =	por !p2, p0  }
0x20: {  	[sflag:s8] =	ssyncset.s32 @!p0 $0xFFFFF086;
	s6 =	sadd.s32 @!p0 s3, s7;
	s7 =	simm.s32 @!p0 $0x108  }
0x21: {  	s3 =	sadd.s32 s3, s9;
	s6 =	sadd.s32 @!p0 $0x88, s6;
	s7 =	simm.s32 @p2 $0x1082  }
0x22: {  	[simem:s7], [sflag:s8] =	dma.local @!p0 [hbm:s6], $0xF7A  }
0x23: {  	s9 =	sor.u32 $0xD0000000, s2;
	s6 =	simm.s32 $0x108;
	_ =	swait.ge @!p0 [sflag:s8], $0x0  }
0x24: {  	s3 =	sadd.s32 $0x88, s3;
	s6 =	simm.s32 @!p1 $0x1082;
	[sflag:s4] =	ssyncset.s32 $0xFFFFF086  }
0x25: {  	[simem:s6], [sflag:s4] =	dma.local [hbm:s3], $0xF7A  }
0x26: {  	[smem:$0x3F96] =	sst s1;
	(tag) =	ssettag s2;
	_ =	strace s9  }
0x27: {  	s1 =	sld [smem:$0x3FA6]  }
0x28: {  	s2 =	sld [smem:$0x3FA7]  }
0x29: {  	s4 =	sld [smem:$0x3FA9]  }
0x2a: {  	p0 =	seq.s32 s5, $0x0;
	s5 =	sld [smem:$0x3FAA]  }
0x2b: {  	s6 =	sld [smem:$0x3FAB]  }
0x2c: {  	s7 =	sld [smem:$0x3FAC]  }
0x2d: {  	s3 =	simm.s32 $0x108;
	s8 =	sld [smem:$0x3FAD]  }
0x2e: {  	s3 =	simm.s32 @!p0 $0x1082;
	s9 =	sld [smem:$0x3FAE]  }
0x2f: {  	lr =	sadd.s32 s0, s3;
	s0 =	sld [smem:$0x3FA5]  }
0x30: {  	s3 =	sld [smem:$0x3FA8]  }
0x31: {  	[smem:$0x3FB1] =	sst s10  }
0x32: {  	s10 =	sld [smem:$0x3FAF];
	_ =	sdelay $0x3  }
0x33: {  	p0 =	seq.s32 s10, $0x1;
	s10 =	sld [smem:$0x3FB1];
	_ =	sdelay $0x3  }
0x34: {  	[smem:$0x3FB1] =	sst s10  }
0x35: {  	s10 =	sld [smem:$0x3FB0];
	_ =	sdelay $0x3  }
0x36: {  	p1 =	seq.s32 s10, $0x1;
	s10 =	sld [smem:$0x3FB1];
	_ =	sdelay $0x3  }
0x37: {  	[smem:$0x3FB1] =	sst s10  }
0x38: {  	s10 =	sld [smem:$0x3FB2]  }
0x39: {  	_ = 	snop;
	(pc) =	sbr.ind lr, $3  }
0x3a: {  	_ = 	snop  }
0x3b: {  	_ = 	snop  }
0x3c: {  	p2 =	seq.s32 s10, $0x1;
	s10 =	sld [smem:$0x3FB1]  }
0x3d: {  	_ =	shalt  }
0x3e: {  	_ =	shalt  }
0x3f: {  	_ =	shalt  }
0x40: {  	_ =	shalt  }
0x41: {  	_ =	shalt  }
0x42: {  	_ =	shalt  }
0x43: {  	_ =	shalt  }
0x44: {  	_ =	shalt  }
0x45: {  	_ =	shalt  }
0x46: {  	_ =	shalt  }
0x47: {  	_ =	shalt  }
0x48: {  	_ =	shalt  }
0x49: {  	_ =	shalt  }
0x4a: {  	_ =	shalt  }
0x4b: {  	_ =	shalt  }
0x4c: {  	_ =	shalt  }
0x4d: {  	_ =	shalt  }
0x4e: {  	_ =	shalt  }
0x4f: {  	_ =	shalt  }
0x50: {  	_ =	shalt  }
0x51: {  	_ =	shalt  }
0x52: {  	_ =	shalt  }
0x53: {  	_ =	shalt  }
0x54: {  	_ =	shalt  }
0x55: {  	_ =	shalt  }
0x56: {  	_ =	shalt  }
0x57: {  	_ =	shalt  }
0x58: {  	_ =	shalt  }
0x59: {  	_ =	shalt  }
0x5a: {  	_ =	shalt  }
0x5b: {  	_ =	shalt  }
0x5c: {  	_ =	shalt  }
0x5d: {  	_ =	shalt  }
0x5e: {  	_ =	shalt  }
0x5f: {  	_ =	shalt  }
0x60: {  	_ =	shalt  }
0x61: {  	_ =	shalt  }
0x62: {  	_ =	shalt  }
0x63: {  	_ =	shalt  }
0x64: {  	_ =	shalt  }
0x65: {  	_ =	shalt  }
0x66: {  	_ =	shalt  }
0x67: {  	_ =	shalt  }
0x68: {  	_ =	shalt  }
0x69: {  	_ =	shalt  }
0x6a: {  	_ =	shalt  }
0x6b: {  	_ =	shalt  }
0x6c: {  	_ =	shalt  }
0x6d: {  	_ =	shalt  }
0x6e: {  	_ =	shalt  }
0x6f: {  	_ =	shalt  }
0x70: {  	_ =	shalt  }
0x71: {  	_ =	shalt  }
0x72: {  	_ =	shalt  }
0x73: {  	_ =	shalt  }
0x74: {  	_ =	shalt  }
0x75: {  	_ =	shalt  }
0x76: {  	_ =	shalt  }
0x77: {  	_ =	shalt  }
0x78: {  	_ =	shalt  }
0x79: {  	_ =	shalt  }
0x7a: {  	_ =	shalt  }
0x7b: {  	_ =	shalt  }
0x7c: {  	_ =	shalt  }
0x7d: {  	_ =	shalt  }
0x7e: {  	_ =	shalt  }
0x7f: {  	_ =	shalt  }
0x80: {  	_ =	shalt  }
0x81: {  	_ =	shalt  }
0x82: {  	_ =	shalt  }
0x83: {  	_ =	shalt  }
0x84: {  	_ =	shalt  }
0x85: {  	_ =	shalt  }
0x86: {  	_ =	shalt  }
0x87: {  	_ =	shalt  }
.Lfunc_end0:
.L_simem_size_0:
called_computation.2_lowered:
.L_overlay_start_0:
0x88: {  	s2 =	sld [smem:$0x3FD9]  }
0x89: {  	s3 =	sld [smem:$0x3FFE];
	_ =	sdelay $0x1  }
0x8a: {  	s1 =	srdreg.scid  }
0x8b: {  	s0 =	sand.u32 $0x1, s1  }
0x8c: {  	s17 =	sshll.u32 s0, $0xA;
	s2 =	sadd.s32 s3, s2  }
0x8d: {  	s2 =	sadd.s32 s2, s17  }
0x8e: {  	[smem:$0x3FBD] =	sst s2  }
0x8f: {  	_ = 	snop  }
0x90: {  	(tm) =	ssettm $0x1  }
0x91: {  	s18 =	sld [smem:$0x3FFB];
	_ =	sdelay $0x3  }
0x92: {  	_ =	strace s18  }
0x93: {  	s2 =	sld [smem:$0x3FFC];
	_ =	sdelay $0x3  }
0x94: {  	_ =	strace s2  }
0x95: {  	s2 =	sld [smem:$0x3FFD];
	_ =	sdelay $0x3  }
0x96: {  	_ =	strace s2  }
0x97: {  	_ =	strace $0x8FFFFFFF  }
0x98: {  	s19 =	sld [smem:$0x3FDB];
	_ =	sdelay $0x1  }
0x99: {  	s20 =	simm.s32 $_scs_section_size  }
0x9a: {  	s4 =	simm.s32 $_size__tile_overlayer_lowered;
	s5 =	simm.s32 $_tile_overlayer_lowered  }
0x9b: {  	s6 =	simm.s32 $0x1BFF;
	s21 =	sshll.u32 s5, $0x1;
	s3 =	sadd.s32 s20, s19  }
0x9c: {  	s22 =	simm.s32 $0x0;
	s4 =	sshll.u32 s4, $0x1;
	s5 =	sadd.s32 s21, s3  }
0x9d: {  	[timem:s22], [sflag:s6] =	dma.local [hbm:s5], s4  }
0x9e: {  	_ =	swait.ge [sflag:s6], s4  }
0x9f: {  	s4 =	ssub.s32 $0x0, s4;
	[sflag:s6] =	ssyncset.done $0x0  }
0xa0: {  	[sflag:s6] =	ssyncadd.s32 s4;
	_ =	sdelay $0x1  }
0xa1: {  	s23 =	simm.s32 $0x1B8B  }
0xa2: {  	_ =	swait.ge [sflag:s23], $0x1  }
0xa3: {  	[sflag:s23] =	ssyncset.done $0x0  }
0xa4: {  	[sflag:s23] =	ssyncadd.s32 $0xFFFFFFFF  }
0xa5: {  	s4 =	sld [smem:$0x0]  }
0xa6: {  	s5 =	sand.u32 $0xFFFFFFFE, s1  }
0xa7: {  	p0 =	sne.s32 s1, s5  }
0xa8: {  	s5 =	sshll.u32 @p0 s5, $0xE  }
0xa9: {  	s5 =	sadd.s32 @p0 $0x11B8D, s5;
	s6 =	sshll.u32 @p0 s4, $0x11  }
0xaa: {  	s5 =	sor.u32 @p0 s6, s5  }
0xab: {  	[sflag:s5] =	ssyncadd.remote.s32 @p0 $0x1;
	_ =	sdelay $0x1  }
0xac: {  	s5 =	simm.s32 @p0 $0x1B8D  }
0xad: {  	_ =	swait.eq @p0 [sflag:s5], $0x1  }
0xae: {  	[sflag:s5] =	ssyncadd.s32 @p0 $0xFFFFFFFF  }
0xaf: {  	s6 =	sshll.u32 @!p0 s1, $0xE  }
0xb0: {  	s6 =	sor.u32 @!p0 $0x4000, s6;
	s5 =	simm.s32 @!p0 $0x1B8D  }
0xb1: {  	s4 =	sshll.u32 @!p0 s4, $0x11;
	s6 =	sadd.s32 @!p0 $0x11B8D, s6;
	_ =	swait.eq @!p0 [sflag:s5], $0x1  }
0xb2: {  	s4 =	sor.u32 @!p0 s4, s6;
	[sflag:s5] =	ssyncadd.s32 @!p0 $0xFFFFFFFF  }
0xb3: {  	s25 =	simm.s32 $0x1B8E;
	s24 =	sld [smem:$0x3FFE];
	[sflag:s4] =	ssyncadd.remote.s32 @!p0 $0x1  }
0xb4: {  	s26 =	simm.s32 $execute0_lowered;
	[smem:$0x3FD2] =	sst s25  }
0xb5: {  	s5 =	sshll.u32 s26, $0x1;
	_ =	strace $0x8000004C;
	[dreg:$0x1] =	wrdreg $0xFFFFFFFF  }
0xb6: {  	s28 =	simm.s32 $_size_execute0_lowered;
	s3 =	sadd.s32 s3, s5;
	[dreg:$0x0] =	wrdreg $0x0  }
0xb7: {  	s5 =	sshll.u32 s28, $0x1;
	[dreg:$0x2] =	wrdreg s3  }
0xb8: {  	[dreg:$0x3] =	wrdreg s5  }
0xb9: {  	[dreg:$0x4] =	wrdreg $0xC0  }
0xba: {  	_ =	task [dreg:s22], $0x5FFFF  }
0xbb: {  	[dreg:$0x1] =	wrdreg $0xFFFFFFFF  }
0xbc: {  	[dreg:$0x0] =	wrdreg $0x60  }
0xbd: {  	[dreg:$0x2] =	wrdreg s24  }
0xbe: {  	[dreg:$0x3] =	wrdreg $0x34000  }
0xbf: {  	[dreg:$0x4] =	wrdreg $0xB  }
0xc0: {  	_ =	task.clear_ibuf [dreg:s22], $0x5FFFF;
	_ =	strace $0x9000004C  }
0xc1: {  	s29 =	simm.s32 $0xB;
	_ =	strace $0x8000004E  }
0xc2: {  	_ =	swait.ge [sflag:s29], $0x1  }
0xc3: {  	[sflag:s29] =	ssyncadd.s32 $0xFFFFFFFF  }
0xc4: {  	_ =	strace $0x9000004E  }
0xc5: {  	_ =	sfence  }
0xc6: {  	s30 =	sld [smem:$0x0];
	_ =	sdelay $0x2  }
0xc7: {  	s31 =	sshll.u32 s1, $0xD;
	s1 =	sshrl.u32 s1, $0x2  }
0xc8: {  	s4 =	sand.u32 $0x4000, s31;
	s1 =	sadd.s32 s1, s30  }
0xc9: {  	s0 =	sor.u32 s4, s0;
	s1 =	sshll.u32 s1, $0x11  }
0xca: {  	s0 =	sor.u32 s1, s0  }
0xcb: {  	s0 =	sadd.s32 $0x8F2B, s0  }
0xcc: {  	[sflag:s0] =	ssyncadd.remote.s32 $0x1  }
0xcd: {  	_ =	sfence.sel $0xFFFF  }
0xce: {  	[dreg:$0x0] =	wrdreg $0xFFFFFFFF;
	(pc) =	sbr.abs _section_cstart, $3  }
0xcf: {  	[dreg:$0x1] =	wrdreg $0xFFFFFFFF  }
0xd0: {  	_ =	task.clear_ibuf [dreg:s22], $0x2FFFF;
	_ =	strace $0x9FFFFFFF  }
0xd1: {  	(tm) =	ssettm $0x7FFFFFFF  }
tec
execute0_lowered:
.L_overlay_start_1:
0x0: {  	(tag) =	ssettag $0x1  }
0x1: {  	s5 =	rddreg [dreg:$0x0]  }
0x2: {  	s2 =	rddreg [dreg:$0x1]  }
0x3: {  	s0 =	rddreg [dreg:$0x2];
	s3 =	srdreg.scid  }
0x4: {  	s1 =	stileid.u32;
	s16 =	simm.s32 $0x1;
	s17 =	simm.s32 $0x80  }
0x5: {  	s18 =	simm.s32 $0x2;
	s19 =	simm.s32 $0x1300;
	s20 =	simm.s32 $0x1380  }
0x6: {  	s21 =	simm.s32 $0x0;
	s8 =	sand.u32 $0x1, s3;
	s6 =	smul.u32 $0x4F00, s1  }
0x7: {  	s4 =	sshll.u32 s1, $0x1;
	s3 =	simm.s32 $0x0;
	s14 =	smul.u32 $0xA000, s1  }
0x8: {  	s10 =	sadd.s32 $0x77800, s5;
	s30 =	sshll.u32 s1, $0x6;
	s28 =	smul.u32 $0x4F000, s8  }
0x9: {  	s7 =	sor.u32 s8, s4;
	[smem:$0x7FF] =	sst s3;
	s15 =	smul.u32 $0x5000, s8  }
0xa: {  	s12 =	ssub.s32 $0x2, s8;
	s9 =	smul.u32 $0x280, s7;
	_ =	strace $0x8000004D  }
0xb: {  	s29 =	sshrl.u32 s12, $0x1;
	s7 =	smul.u32 $0x5000, s7;
	s13 =	sadd.s32 s6, s2  }
0xc: {  	s31 =	sadd.s32 s14, s10;
	s14 =	simm.s32 $0x1400;
	s4 =	sadd.s32 s6, s28  }
0xd: {  	s12 =	ssub.s32 s12, s29;
	s9 =	sadd.s32 s9, s5;
	s11 =	sshrl.u32 s4, $0x3  }
0xe: {  	s4 =	sadd.s32 $0x117800, s5;
	s7 =	sadd.s32 s10, s7;
	s10 =	smax.u32 s12, $0x1  }
0xf: {  	s12 =	sshrl.u32 s13, $0x3;
	s13 =	simm.s32 $0x3;
	s11 =	sadd.s32 s11, s5  }
0x10: {  	s5 =	sor.u32 $0x1C03, s30;
	s6 =	sadd.s32 $0xE400, s9;
	s8 =	sadd.s32 $0x200, s7  }
0x11: {  	s9 =	sadd.s32 $0x118200, s11;
	s11 =	sadd.s32 s15, s31;
	s15 =	simm.s32 $0x2400  }
.LBB2_1:
0x12: {  	[spmem:s12], [sflag:s5] =	dma.local [hbm:s4], $0x9E0  }
0x13: {  	_ =	swait.ge [sflag:s13], $0x9E0  }
0x14: {  	[sflag:s13] =	ssyncset.done $0x0  }
0x15: {  	[sflag:s13] =	ssyncadd.s32 $0xFFFFF620  }
0x16: {  	[tilespmem:s3], [sflag:$0x3] =	stream.linear.gather [hbm4b:s6+s3], $0x1400, $0x38;
	[tilespmem:$0x8300] =	vst v63  }
0x17: {  	_ =	swait.ge [sflag:s13], $0x1400  }
0x18: {  	[sflag:s13] =	ssyncset.done $0x0  }
0x19: {  	[sflag:s13] =	ssyncadd.s32 $0xFFFFEC00  }
0x1a: {  	[bflag:$0x0] =	sbarrier.arrive $0xFFFF  }
0x1b: {  	[tilespmem:s14], [sflag:$0x1] =	stream.linear.gather [hbm4b:s7+s3], $0x1000, $0x38;
	[tilespmem:$0x8300] =	vst v63  }
0x1c: {  	_ = 	snop  }
0x1d: {  	[tilespmem:s15], [sflag:$0x2] =	stream.linear.gather [hbm4b:s8+s3], $0x1000, $0x38;
	[tilespmem:$0x8300] =	vst v63  }
0x1e: {  	_ =	swait.ge [sflag:s16], $0x1000  }
0x1f: {  	[sflag:s16] =	ssyncset.done $0x0  }
0x20: {  	s22 =	simm.s32 $0x0;
	[sflag:s16] =	ssyncadd.s32 $0xFFFFF000  }
0x21: {  	[spmem:s2] =	stream.indirect.scatter.add.f32 [tilespmem:s14], [sflag:$0x3], $0x20, s22, s17, $0xb8;
	[tilespmem:$0x8300] =	vst v63  }
0x22: {  	_ =	swait.ge [sflag:s13], $0x1000  }
0x23: {  	s23 =	sadd.s32 $0x0, s11;
	[sflag:s13] =	ssyncset.done $0x0  }
0x24: {  	s30 =	sadd.s32 $0x400, s23;
	[sflag:s13] =	ssyncadd.s32 $0xFFFFF000  }
0x25: {  	[tilespmem:s14], [sflag:$0x1] =	stream.linear.gather [hbm4b:s30+s3], $0x1000, $0x38;
	[tilespmem:$0x8300] =	vst v63  }
0x26: {  	_ =	swait.ge [sflag:s18], $0x1000  }
0x27: {  	[sflag:s18] =	ssyncset.done $0x0  }
0x28: {  	s31 =	simm.s32 $0x80;
	[sflag:s18] =	ssyncadd.s32 $0xFFFFF000  }
0x29: {  	[spmem:s2] =	stream.indirect.scatter.add.f32 [tilespmem:s15], [sflag:$0x3], $0x20, s31, s17, $0xb8;
	[tilespmem:$0x8300] =	vst v63  }
0x2a: {  	_ =	swait.ge [sflag:s13], $0x1000  }
0x2b: {  	[sflag:s13] =	ssyncset.done $0x0  }
0x2c: {  	s23 =	sadd.s32 $0x600, s23;
	s22 =	simm.s32 $0x400;
	[sflag:s13] =	ssyncadd.s32 $0xFFFFF000  }
.LBB2_2:
0x2d: {  	[tilespmem:s15], [sflag:$0x2] =	stream.linear.gather [hbm4b:s23+s3], $0x1000, $0x38;
	[tilespmem:$0x8300] =	vst v63  }
0x2e: {  	s23 =	smov.u32 s22  }
0x2f: {  	p0 =	sne.s32 s22, $0x4800;
	s22 =	sadd.s32 $0x400, s22;
	_ =	swait.ge [sflag:s16], $0x1000  }
0x30: {  	[sflag:s16] =	ssyncset.done $0x0  }
0x31: {  	s24 =	sshra.s32 s23, $0x2;
	[sflag:s16] =	ssyncadd.s32 $0xFFFFF000  }
0x32: {  	[spmem:s2] =	stream.indirect.scatter.add.f32 [tilespmem:s14], [sflag:$0x3], $0x20, s24, s17, $0xb8;
	[tilespmem:$0x8300] =	vst v63  }
0x33: {  	_ =	swait.ge [sflag:s13], $0x1000  }
0x34: {  	s23 =	sadd.s32 s23, s11;
	[sflag:s13] =	ssyncset.done $0x0  }
0x35: {  	s25 =	sadd.s32 $0x400, s23;
	[sflag:s13] =	ssyncadd.s32 $0xFFFFF000  }
0x36: {  	[tilespmem:s14], [sflag:$0x1] =	stream.linear.gather [hbm4b:s25+s3], $0x1000, $0x38;
	[tilespmem:$0x8300] =	vst v63  }
0x37: {  	_ =	swait.ge [sflag:s18], $0x1000  }
0x38: {  	[sflag:s18] =	ssyncset.done $0x0  }
.Ltmp0:
0x39: {  	s24 =	sadd.s32 $0x80, s24;
	[sflag:s18] =	ssyncadd.s32 $0xFFFFF000;
	(pc) =	sbr.rel @p0 .LBB2_2-.Ltmp0, $4  }
0x3a: {  	[spmem:s2] =	stream.indirect.scatter.add.f32 [tilespmem:s15], [sflag:$0x3], $0x20, s24, s17, $0xb8;
	[tilespmem:$0x8300] =	vst v63  }
0x3b: {  	_ =	swait.ge [sflag:s13], $0x1000  }
0x3c: {  	[sflag:s13] =	ssyncset.done $0x0  }
0x3d: {  	s23 =	sadd.s32 $0x600, s23;
	[sflag:s13] =	ssyncadd.s32 $0xFFFFF000  }
0x3e: {  	[tilespmem:s15], [sflag:$0x2] =	stream.linear.gather [hbm4b:s23+s3], $0x1000, $0x38;
	[tilespmem:$0x8300] =	vst v63  }
0x3f: {  	_ =	swait.ge [sflag:s16], $0x1000  }
0x40: {  	[sflag:s16] =	ssyncset.done $0x0  }
0x41: {  	[sflag:s16] =	ssyncadd.s32 $0xFFFFF000  }
0x42: {  	[spmem:s2] =	stream.indirect.scatter.add.f32 [tilespmem:s14], [sflag:$0x3], $0x20, s19, s17, $0xb8;
	[tilespmem:$0x8300] =	vst v63  }
0x43: {  	_ =	swait.ge [sflag:s13], $0x1000  }
0x44: {  	[sflag:s13] =	ssyncset.done $0x0  }
0x45: {  	[sflag:s13] =	ssyncadd.s32 $0xFFFFF000  }
0x46: {  	_ =	swait.ge [sflag:s18], $0x1000  }
0x47: {  	[sflag:s18] =	ssyncset.done $0x0  }
0x48: {  	[sflag:s18] =	ssyncadd.s32 $0xFFFFF000  }
0x49: {  	[spmem:s2] =	stream.indirect.scatter.add.f32 [tilespmem:s15], [sflag:$0x3], $0x20, s20, s17, $0xb8;
	[tilespmem:$0x8300] =	vst v63  }
0x4a: {  	_ =	swait.ge [sflag:s13], $0x1000  }
0x4b: {  	s21 =	sadd.s32 $0x1, s21;
	[sflag:s13] =	ssyncset.done $0x0  }
0x4c: {  	p0 =	sne.s32 s21, s10;
	[sflag:s13] =	ssyncadd.s32 $0xFFFFF000  }
.Ltmp1:
0x4d: {  	[bflag:$0x0] =	sbarrier.arrive $0xFFFF;
	(pc) =	sbr.rel @p0 .LBB2_1-.Ltmp1, $4  }
0x4e: {  	[hbm:s9], [sflag:s5] =	dma.local [spmem:s12], $0x9E0  }
0x4f: {  	_ =	swait.ge [sflag:s13], $0x9E0  }
0x50: {  	[sflag:s13] =	ssyncset.done $0x0  }
0x51: {  	[sflag:s13] =	ssyncadd.s32 $0xFFFFF620  }
0x52: {  	_ =	sfence.sel $0x180000  }
0x53: {  	[bflag:$0x0] =	sbarrier.arrive $0xFFFF  }
0x54: {  	p0 =	sne.s32 s1, $0x0;
	_ =	strace $0x9000004D  }
0x55: {  	s0 =	sadd.s32 @!p0 $0x100000, s0;
	[bflag:$0x2] =	sbarrier.arrive $0xFFFF  }
0x56: {  	[sflag:s0] =	ssyncadd.tile.s32 @!p0 $0x1;
	_ =	shalt  }
.Lfunc_end2:
_tile_overlayer_lowered:
.L_overlay_start_2:
0x57: {  	(tag) =	ssettag $0x2  }
0x58: {  	s0 =	rddreg [dreg:$0x0];
	s2 =	stileid.u32  }
0x59: {  	s1 =	rddreg [dreg:$0x1];
	p0 =	sne.s32 s2, $0x0  }
0x5a: {  	s3 =	rddreg [dreg:$0x2];
	[bflag:$0x3] =	sbarrier.arrive $0xFFFF;
	s2 =	simm.s32 @!p0 $0x1C03  }
0x5b: {  	[timem:s3], [sflag:s2] =	dma.local @!p0 [hbm:s0], s1  }
0x5c: {  	s0 =	simm.s32 @!p0 $0x3  }
0x5d: {  	_ =	swait.ge @!p0 [sflag:s0], s1  }
0x5e: {  	s1 =	ssub.s32 @!p0 $0x0, s1;
	[sflag:s0] =	ssyncset.done @!p0 $0x0  }
0x5f: {  	[sflag:s0] =	ssyncadd.s32 @!p0 s1  }
0x60: {  	[bflag:$0x3] =	sbarrier.arrive $0xFFFF  }
0x61: {  	_ =	shalt  }

// kernel: kernel.17.cloned.1.call-start
scs
__scs_entry_jumppad:
0x0: {  	(pc) =	sbr.rel $0x88, $3  }
0x1: {  	(tag) =	ssettag $0x0;
	lr =	simm.s32 $0x1  }
0x2: {  	[smem:$0x3F96] =	sst lr;
	_ =	strace $0xD0000000  }
0x3: {  	_ = 	snop  }
0x4: {  	_ = 	snop  }
0x5: {  	_ = 	snop  }
0x6: {  	_ = 	snop  }
0x7: {  	_ = 	snop  }
__scs_overlays_trampoline_lowered:
0x8: {  	[smem:$0x3FA5] =	sst s0  }
0x9: {  	[smem:$0x3FA6] =	sst s1  }
0xa: {  	[smem:$0x3FA7] =	sst s2  }
0xb: {  	[smem:$0x3FA8] =	sst s3  }
0xc: {  	[smem:$0x3FA9] =	sst s4  }
0xd: {  	[smem:$0x3FAA] =	sst s5  }
0xe: {  	[smem:$0x3FAB] =	sst s6  }
0xf: {  	[smem:$0x3FAC] =	sst s7  }
0x10: {  	[smem:$0x3FAD] =	sst s8  }
0x11: {  	[smem:$0x3FAE] =	sst s9;
	s0 =	simm.s32 @!p0 $0x0  }
0x12: {  	s1 =	sld [smem:$0x3F94];
	s0 =	simm.s32 @p0 $0x1  }
0x13: {  	[smem:$0x3FAF] =	sst s0;
	s0 =	simm.s32 @!p1 $0x0  }
0x14: {  	s2 =	sld [smem:$0x3F93];
	s0 =	simm.s32 @p1 $0x1  }
0x15: {  	[smem:$0x3FB0] =	sst s0;
	s0 =	simm.s32 @!p2 $0x0  }
0x16: {  	s3 =	sld [smem:$0x3FDB];
	s0 =	simm.s32 @p2 $0x1  }
0x17: {  	s4 =	simm.s32 $0x1BF5;
	[smem:$0x3FB2] =	sst s0  }
0x18: {  	s0 =	sld [smem:$0x3F95];
	_ =	swait.ge [sflag:s4], $0x0  }
0x19: {  	s7 =	sld [smem:$0x3F96]  }
0x1a: {  	s8 =	sadd.s32 $0xFFFFE003, lr  }
0x1b: {  	s9 =	sadd.s32 $0xFFFFFEF7, lr;
	s5 =	simm.s32 $0xFFFFFFFF;
	p2 =	slt.u32 s8, $0xFFFFF086  }
0x1c: {  	p1 =	slt.u32 s9, $0xF7A;
	s5 =	simm.s32 @!p2 $0x0  }
0x1d: {  	s5 =	simm.s32 @p1 $0x1;
	p0 =	seq.s32 s7, s2  }
0x1e: {  	s7 =	smul.u32 @!p0 $0xF7A, s2;
	p2 =	seq.s32 @!p0 s5, $0x0  }
0x1f: {  	s9 =	smul.u32 $0xF7A, s1;
	s8 =	simm.s32 @!p0 $0x1BF5;
	p2 =	por !p2, p0  }
0x20: {  	[sflag:s8] =	ssyncset.s32 @!p0 $0xFFFFF086;
	s6 =	sadd.s32 @!p0 s3, s7;
	s7 =	simm.s32 @!p0 $0x108  }
0x21: {  	s3 =	sadd.s32 s3, s9;
	s6 =	sadd.s32 @!p0 $0x88, s6;
	s7 =	simm.s32 @p2 $0x1082  }
0x22: {  	[simem:s7], [sflag:s8] =	dma.local @!p0 [hbm:s6], $0xF7A  }
0x23: {  	s9 =	sor.u32 $0xD0000000, s2;
	s6 =	simm.s32 $0x108;
	_ =	swait.ge @!p0 [sflag:s8], $0x0  }
0x24: {  	s3 =	sadd.s32 $0x88, s3;
	s6 =	simm.s32 @!p1 $0x1082;
	[sflag:s4] =	ssyncset.s32 $0xFFFFF086  }
0x25: {  	[simem:s6], [sflag:s4] =	dma.local [hbm:s3], $0xF7A  }
0x26: {  	[smem:$0x3F96] =	sst s1;
	(tag) =	ssettag s2;
	_ =	strace s9  }
0x27: {  	s1 =	sld [smem:$0x3FA6]  }
0x28: {  	s2 =	sld [smem:$0x3FA7]  }
0x29: {  	s4 =	sld [smem:$0x3FA9]  }
0x2a: {  	p0 =	seq.s32 s5, $0x0;
	s5 =	sld [smem:$0x3FAA]  }
0x2b: {  	s6 =	sld [smem:$0x3FAB]  }
0x2c: {  	s7 =	sld [smem:$0x3FAC]  }
0x2d: {  	s3 =	simm.s32 $0x108;
	s8 =	sld [smem:$0x3FAD]  }
0x2e: {  	s3 =	simm.s32 @!p0 $0x1082;
	s9 =	sld [smem:$0x3FAE]  }
0x2f: {  	lr =	sadd.s32 s0, s3;
	s0 =	sld [smem:$0x3FA5]  }
0x30: {  	s3 =	sld [smem:$0x3FA8]  }
0x31: {  	[smem:$0x3FB1] =	sst s10  }
0x32: {  	s10 =	sld [smem:$0x3FAF];
	_ =	sdelay $0x3  }
0x33: {  	p0 =	seq.s32 s10, $0x1;
	s10 =	sld [smem:$0x3FB1];
	_ =	sdelay $0x3  }
0x34: {  	[smem:$0x3FB1] =	sst s10  }
0x35: {  	s10 =	sld [smem:$0x3FB0];
	_ =	sdelay $0x3  }
0x36: {  	p1 =	seq.s32 s10, $0x1;
	s10 =	sld [smem:$0x3FB1];
	_ =	sdelay $0x3  }
0x37: {  	[smem:$0x3FB1] =	sst s10  }
0x38: {  	s10 =	sld [smem:$0x3FB2]  }
0x39: {  	_ = 	snop;
	(pc) =	sbr.ind lr, $3  }
0x3a: {  	_ = 	snop  }
0x3b: {  	_ = 	snop  }
0x3c: {  	p2 =	seq.s32 s10, $0x1;
	s10 =	sld [smem:$0x3FB1]  }
0x3d: {  	_ =	shalt  }
0x3e: {  	_ =	shalt  }
0x3f: {  	_ =	shalt  }
0x40: {  	_ =	shalt  }
0x41: {  	_ =	shalt  }
0x42: {  	_ =	shalt  }
0x43: {  	_ =	shalt  }
0x44: {  	_ =	shalt  }
0x45: {  	_ =	shalt  }
0x46: {  	_ =	shalt  }
0x47: {  	_ =	shalt  }
0x48: {  	_ =	shalt  }
0x49: {  	_ =	shalt  }
0x4a: {  	_ =	shalt  }
0x4b: {  	_ =	shalt  }
0x4c: {  	_ =	shalt  }
0x4d: {  	_ =	shalt  }
0x4e: {  	_ =	shalt  }
0x4f: {  	_ =	shalt  }
0x50: {  	_ =	shalt  }
0x51: {  	_ =	shalt  }
0x52: {  	_ =	shalt  }
0x53: {  	_ =	shalt  }
0x54: {  	_ =	shalt  }
0x55: {  	_ =	shalt  }
0x56: {  	_ =	shalt  }
0x57: {  	_ =	shalt  }
0x58: {  	_ =	shalt  }
0x59: {  	_ =	shalt  }
0x5a: {  	_ =	shalt  }
0x5b: {  	_ =	shalt  }
0x5c: {  	_ =	shalt  }
0x5d: {  	_ =	shalt  }
0x5e: {  	_ =	shalt  }
0x5f: {  	_ =	shalt  }
0x60: {  	_ =	shalt  }
0x61: {  	_ =	shalt  }
0x62: {  	_ =	shalt  }
0x63: {  	_ =	shalt  }
0x64: {  	_ =	shalt  }
0x65: {  	_ =	shalt  }
0x66: {  	_ =	shalt  }
0x67: {  	_ =	shalt  }
0x68: {  	_ =	shalt  }
0x69: {  	_ =	shalt  }
0x6a: {  	_ =	shalt  }
0x6b: {  	_ =	shalt  }
0x6c: {  	_ =	shalt  }
0x6d: {  	_ =	shalt  }
0x6e: {  	_ =	shalt  }
0x6f: {  	_ =	shalt  }
0x70: {  	_ =	shalt  }
0x71: {  	_ =	shalt  }
0x72: {  	_ =	shalt  }
0x73: {  	_ =	shalt  }
0x74: {  	_ =	shalt  }
0x75: {  	_ =	shalt  }
0x76: {  	_ =	shalt  }
0x77: {  	_ =	shalt  }
0x78: {  	_ =	shalt  }
0x79: {  	_ =	shalt  }
0x7a: {  	_ =	shalt  }
0x7b: {  	_ =	shalt  }
0x7c: {  	_ =	shalt  }
0x7d: {  	_ =	shalt  }
0x7e: {  	_ =	shalt  }
0x7f: {  	_ =	shalt  }
0x80: {  	_ =	shalt  }
0x81: {  	_ =	shalt  }
0x82: {  	_ =	shalt  }
0x83: {  	_ =	shalt  }
0x84: {  	_ =	shalt  }
0x85: {  	_ =	shalt  }
0x86: {  	_ =	shalt  }
0x87: {  	_ =	shalt  }
.Lfunc_end0:
.L_simem_size_0:
called_computation.3_lowered:
.L_overlay_start_0:
0x88: {  	s2 =	sld [smem:$0x3FD9]  }
0x89: {  	s3 =	sld [smem:$0x3FFE];
	_ =	sdelay $0x1  }
0x8a: {  	s1 =	srdreg.scid  }
0x8b: {  	s0 =	sand.u32 $0x1, s1  }
0x8c: {  	s17 =	sshll.u32 s0, $0xA;
	s2 =	sadd.s32 s3, s2  }
0x8d: {  	s2 =	sadd.s32 s2, s17  }
0x8e: {  	[smem:$0x3FBD] =	sst s2  }
0x8f: {  	_ = 	snop  }
0x90: {  	s2 =	sld [smem:$0x3FD0];
	(tm) =	ssettm $0x1  }
0x91: {  	s18 =	sld [smem:$0x3FFB];
	_ =	sdelay $0x3  }
0x92: {  	_ =	strace s18  }
0x93: {  	s3 =	sld [smem:$0x3FFC];
	_ =	sdelay $0x3  }
0x94: {  	_ =	strace s3  }
0x95: {  	s3 =	sld [smem:$0x3FFD];
	_ =	sdelay $0x3  }
0x96: {  	_ =	strace s3  }
0x97: {  	_ =	strace $0x8FFFFFFF  }
0x98: {  	s19 =	sld [smem:$0x3FDB];
	_ =	sdelay $0x1  }
0x99: {  	s4 =	simm.s32 $_scs_section_size  }
0x9a: {  	s5 =	simm.s32 $_size__tile_overlayer_lowered;
	s6 =	simm.s32 $_tile_overlayer_lowered  }
0x9b: {  	s22 =	simm.s32 $0x1BFF;
	s21 =	sshll.u32 s6, $0x1;
	s3 =	sadd.s32 s4, s19  }
0x9c: {  	s7 =	simm.s32 $0x0;
	s20 =	sshll.u32 s5, $0x1;
	s5 =	sadd.s32 s21, s3  }
0x9d: {  	[timem:s7], [sflag:s22] =	dma.local [hbm:s5], s20  }
0x9e: {  	_ =	swait.ge [sflag:s22], s20  }
0x9f: {  	s4 =	ssub.s32 $0x0, s20;
	[sflag:s22] =	ssyncset.done $0x0  }
0xa0: {  	[sflag:s22] =	ssyncadd.s32 s4;
	_ =	sdelay $0x1  }
0xa1: {  	s23 =	simm.s32 $0x1B8B  }
0xa2: {  	_ =	swait.ge [sflag:s23], $0x1  }
0xa3: {  	[sflag:s23] =	ssyncset.done $0x0  }
0xa4: {  	s25 =	simm.s32 $0x1B8E;
	s24 =	sld [smem:$0x3FFE];
	[sflag:s23] =	ssyncadd.s32 $0xFFFFFFFF  }
0xa5: {  	s26 =	simm.s32 $execute0_lowered;
	[smem:$0x3FD2] =	sst s25  }
0xa6: {  	s5 =	sshll.u32 s26, $0x1;
	_ =	strace $0x8000004F;
	[dreg:$0x1] =	wrdreg $0xFFFFFFFF  }
0xa7: {  	s28 =	simm.s32 $_size_execute0_lowered;
	s3 =	sadd.s32 s3, s5;
	[dreg:$0x0] =	wrdreg $0x0  }
0xa8: {  	s5 =	sshll.u32 s28, $0x1;
	[dreg:$0x2] =	wrdreg s3  }
0xa9: {  	[dreg:$0x3] =	wrdreg s5  }
0xaa: {  	[dreg:$0x4] =	wrdreg $0xC0  }
0xab: {  	_ =	task [dreg:s7], $0x5FFFF  }
0xac: {  	[dreg:$0x1] =	wrdreg $0xFFFFFFFF  }
0xad: {  	[dreg:$0x0] =	wrdreg $0x60  }
0xae: {  	[dreg:$0x2] =	wrdreg s24  }
0xaf: {  	[dreg:$0x3] =	wrdreg s2  }
0xb0: {  	[dreg:$0x4] =	wrdreg $0x90000  }
0xb1: {  	[dreg:$0x5] =	wrdreg $0x9  }
0xb2: {  	_ =	task.clear_ibuf [dreg:s7], $0x6FFFF;
	_ =	strace $0x9000004F  }
0xb3: {  	s29 =	simm.s32 $0x9;
	_ =	strace $0x80000051  }
0xb4: {  	_ =	swait.ge [sflag:s29], $0x1  }
0xb5: {  	[sflag:s29] =	ssyncadd.s32 $0xFFFFFFFF  }
0xb6: {  	_ =	strace $0x90000051  }
0xb7: {  	_ =	sfence  }
0xb8: {  	s30 =	sld [smem:$0x0];
	_ =	sdelay $0x2  }
0xb9: {  	s31 =	sshll.u32 s1, $0xD;
	s1 =	sshrl.u32 s1, $0x2  }
0xba: {  	s3 =	sand.u32 $0x4000, s31;
	s1 =	sadd.s32 s1, s30  }
0xbb: {  	s0 =	sor.u32 s3, s0;
	s1 =	sshll.u32 s1, $0x11  }
0xbc: {  	s0 =	sor.u32 s1, s0  }
0xbd: {  	s0 =	sadd.s32 $0x8F2B, s0  }
0xbe: {  	[sflag:s0] =	ssyncadd.remote.s32 $0x1  }
0xbf: {  	_ =	sfence.sel $0xFFFF  }
0xc0: {  	[dreg:$0x0] =	wrdreg $0xFFFFFFFF;
	(pc) =	sbr.abs _section_cstart, $3  }
0xc1: {  	[dreg:$0x1] =	wrdreg $0xFFFFFFFF  }
0xc2: {  	_ =	task.clear_ibuf [dreg:s7], $0x2FFFF;
	_ =	strace $0x9FFFFFFF  }
0xc3: {  	(tm) =	ssettm $0x7FFFFFFF  }
tec
execute0_lowered:
.L_overlay_start_1:
0x0: {  	(tag) =	ssettag $0x1  }
0x1: {  	s5 =	rddreg [dreg:$0x0]  }
0x2: {  	s1 =	srdreg.scid;
	s9 =	rddreg [dreg:$0x1]  }
0x3: {  	s0 =	stileid.u32;
	s2 =	rddreg [dreg:$0x2]  }
0x4: {  	s3 =	simm.s32 $0x0;
	s15 =	simm.s32 $0x5000;
	s16 =	simm.s32 $0x7000  }
0x5: {  	s17 =	simm.s32 $0x1;
	s18 =	simm.s32 $0x2;
	s19 =	simm.s32 $0x4F00  }
0x6: {  	s20 =	simm.s32 $0x4F80;
	s21 =	simm.s32 $0x0;
	s7 =	smul.u32 $0x2800, s0  }
0x7: {  	s6 =	sand.u32 $0x1, s1;
	s1 =	rddreg [dreg:$0x3];
	s10 =	smul.u32 $0x9E00, s0  }
0x8: {  	[smem:$0x7FF] =	sst s3;
	s30 =	sshll.u32 s0, $0x6;
	s4 =	smul.u32 $0x28000, s6  }
0x9: {  	_ =	strace $0x80000050;
	s11 =	ssub.s32 $0x2, s6;
	s6 =	smul.u32 $0x9E000, s6  }
0xa: {  	s29 =	sshrl.u32 s11, $0x1;
	s14 =	sadd.s32 s10, s2;
	s4 =	sadd.s32 s7, s4  }
0xb: {  	s7 =	sshrl.u32 s7, $0x3;
	s11 =	ssub.s32 s11, s29;
	s13 =	sadd.s32 s10, s6  }
0xc: {  	s6 =	sor.u32 $0x1C03, s30;
	s8 =	sshrl.u32 s4, $0x3;
	s4 =	sadd.s32 $0x76A00, s5  }
0xd: {  	s12 =	sadd.s32 s7, s5;
	s31 =	sshrl.u32 s13, $0x3;
	s10 =	smax.u32 s11, $0x1  }
0xe: {  	s11 =	sshrl.u32 s14, $0x3;
	s13 =	simm.s32 $0x2800;
	s14 =	simm.s32 $0x80  }
0xf: {  	s8 =	sadd.s32 s8, s5;
	s5 =	sadd.s32 $0x27400, s5;
	s9 =	sadd.s32 s9, s31  }
0x10: {  	s7 =	sadd.s32 $0x4400, s8;
	s8 =	sadd.s32 $0xE400, s12;
	s12 =	simm.s32 $0x3  }
.LBB2_1:
0x11: {  	[spmem:s11], [sflag:s6] =	dma.local [hbm:s5], $0x13C0  }
0x12: {  	_ =	swait.ge [sflag:s12], $0x13C0  }
0x13: {  	[sflag:s12] =	ssyncset.done $0x0  }
0x14: {  	[sflag:s12] =	ssyncadd.s32 $0xFFFFEC40  }
0x15: {  	[tilespmem:s3], [sflag:$0x3] =	stream.linear.gather [hbm4b:s7+s3], $0x2800, $0x38;
	[tilespmem:$0x12E00] =	vst v63  }
0x16: {  	_ =	swait.ge [sflag:s12], $0x2800  }
0x17: {  	[sflag:s12] =	ssyncset.done $0x0  }
0x18: {  	[sflag:s12] =	ssyncadd.s32 $0xFFFFD800  }
0x19: {  	[tilespmem:s13], [sflag:$0x3] =	stream.linear.gather [hbm4b:s8+s3], $0x2800, $0x38;
	[tilespmem:$0x12E00] =	vst v63  }
0x1a: {  	_ =	swait.ge [sflag:s12], $0x2800  }
0x1b: {  	[sflag:s12] =	ssyncset.done $0x0  }
0x1c: {  	[sflag:s12] =	ssyncadd.s32 $0xFFFFD800  }
0x1d: {  	[bflag:$0x0] =	sbarrier.arrive $0xFFFF  }
0x1e: {  	[tilespmem:s15], [sflag:$0x1] =	stream.indirect.gather [hbm4b:s4+s14], $0x40, s3, s14, $0xb8;
	[tilespmem:$0x12E00] =	vst v63  }
0x1f: {  	_ = 	snop  }
0x20: {  	[tilespmem:s16], [sflag:$0x2] =	stream.indirect.gather [hbm4b:s4+s14], $0x40, s14, s14, $0xb8;
	[tilespmem:$0x12E00] =	vst v63  }
0x21: {  	_ =	swait.ge [sflag:s17], $0x2000  }
0x22: {  	[sflag:s17] =	ssyncset.done $0x0  }
0x23: {  	s22 =	simm.s32 $0x2800;
	[sflag:s17] =	ssyncadd.s32 $0xFFFFE000  }
0x24: {  	[spmem:s2] =	stream.indirect.scatter.add.f32 [tilespmem:s15], [sflag:$0x3], $0x40, s22, s14, $0xb8;
	[tilespmem:$0x12E00] =	vst v63  }
0x25: {  	_ =	swait.ge [sflag:s12], $0x2000  }
0x26: {  	[sflag:s12] =	ssyncset.done $0x0  }
0x27: {  	s30 =	simm.s32 $0x100;
	[sflag:s12] =	ssyncadd.s32 $0xFFFFE000  }
0x28: {  	[tilespmem:s15], [sflag:$0x1] =	stream.indirect.gather [hbm4b:s4+s14], $0x40, s30, s14, $0xb8;
	[tilespmem:$0x12E00] =	vst v63  }
0x29: {  	_ =	swait.ge [sflag:s18], $0x2000  }
0x2a: {  	[sflag:s18] =	ssyncset.done $0x0  }
0x2b: {  	s31 =	simm.s32 $0x2880;
	[sflag:s18] =	ssyncadd.s32 $0xFFFFE000  }
0x2c: {  	[spmem:s2] =	stream.indirect.scatter.add.f32 [tilespmem:s16], [sflag:$0x3], $0x40, s31, s14, $0xb8;
	[tilespmem:$0x12E00] =	vst v63  }
0x2d: {  	_ =	swait.ge [sflag:s12], $0x2000  }
0x2e: {  	[sflag:s12] =	ssyncset.done $0x0  }
0x2f: {  	s23 =	simm.s32 $0x180;
	s22 =	simm.s32 $0x400;
	[sflag:s12] =	ssyncadd.s32 $0xFFFFE000  }
.LBB2_2:
0x30: {  	[tilespmem:s16], [sflag:$0x2] =	stream.indirect.gather [hbm4b:s4+s14], $0x40, s23, s14, $0xb8;
	[tilespmem:$0x12E00] =	vst v63  }
0x31: {  	s23 =	smov.u32 s22  }
0x32: {  	p0 =	sne.s32 s22, $0x9800;
	s22 =	sadd.s32 $0x400, s22;
	_ =	swait.ge [sflag:s17], $0x2000  }
0x33: {  	s23 =	sshra.s32 s23, $0x2;
	[sflag:s17] =	ssyncset.done $0x0  }
0x34: {  	s24 =	sadd.s32 $0x2800, s23;
	[sflag:s17] =	ssyncadd.s32 $0xFFFFE000  }
0x35: {  	[spmem:s2] =	stream.indirect.scatter.add.f32 [tilespmem:s15], [sflag:$0x3], $0x40, s24, s14, $0xb8;
	[tilespmem:$0x12E00] =	vst v63  }
0x36: {  	_ =	swait.ge [sflag:s12], $0x2000  }
0x37: {  	[sflag:s12] =	ssyncset.done $0x0  }
0x38: {  	s24 =	sadd.s32 $0x100, s23;
	[sflag:s12] =	ssyncadd.s32 $0xFFFFE000  }
0x39: {  	[tilespmem:s15], [sflag:$0x1] =	stream.indirect.gather [hbm4b:s4+s14], $0x40, s24, s14, $0xb8;
	[tilespmem:$0x12E00] =	vst v63  }
0x3a: {  	_ =	swait.ge [sflag:s18], $0x2000  }
0x3b: {  	[sflag:s18] =	ssyncset.done $0x0  }
.Ltmp0:
0x3c: {  	s24 =	sadd.s32 $0x2880, s23;
	[sflag:s18] =	ssyncadd.s32 $0xFFFFE000;
	(pc) =	sbr.rel @p0 .LBB2_2-.Ltmp0, $4  }
0x3d: {  	[spmem:s2] =	stream.indirect.scatter.add.f32 [tilespmem:s16], [sflag:$0x3], $0x40, s24, s14, $0xb8;
	[tilespmem:$0x12E00] =	vst v63  }
0x3e: {  	_ =	swait.ge [sflag:s12], $0x2000  }
0x3f: {  	[sflag:s12] =	ssyncset.done $0x0  }
0x40: {  	s23 =	sadd.s32 $0x180, s23;
	[sflag:s12] =	ssyncadd.s32 $0xFFFFE000  }
0x41: {  	[tilespmem:s16], [sflag:$0x2] =	stream.indirect.gather [hbm4b:s4+s14], $0x40, s23, s14, $0xb8;
	[tilespmem:$0x12E00] =	vst v63  }
0x42: {  	_ =	swait.ge [sflag:s17], $0x2000  }
0x43: {  	[sflag:s17] =	ssyncset.done $0x0  }
0x44: {  	[sflag:s17] =	ssyncadd.s32 $0xFFFFE000  }
0x45: {  	[spmem:s2] =	stream.indirect.scatter.add.f32 [tilespmem:s15], [sflag:$0x3], $0x40, s19, s14, $0xb8;
	[tilespmem:$0x12E00] =	vst v63  }
0x46: {  	_ =	swait.ge [sflag:s12], $0x2000  }
0x47: {  	[sflag:s12] =	ssyncset.done $0x0  }
0x48: {  	[sflag:s12] =	ssyncadd.s32 $0xFFFFE000  }
0x49: {  	_ =	swait.ge [sflag:s18], $0x2000  }
0x4a: {  	[sflag:s18] =	ssyncset.done $0x0  }
0x4b: {  	[sflag:s18] =	ssyncadd.s32 $0xFFFFE000  }
0x4c: {  	[spmem:s2] =	stream.indirect.scatter.add.f32 [tilespmem:s16], [sflag:$0x3], $0x40, s20, s14, $0xb8;
	[tilespmem:$0x12E00] =	vst v63  }
0x4d: {  	_ =	swait.ge [sflag:s12], $0x2000  }
0x4e: {  	s21 =	sadd.s32 $0x1, s21;
	[sflag:s12] =	ssyncset.done $0x0  }
0x4f: {  	p0 =	sne.s32 s21, s10;
	[sflag:s12] =	ssyncadd.s32 $0xFFFFE000  }
.Ltmp1:
0x50: {  	[bflag:$0x0] =	sbarrier.arrive $0xFFFF;
	(pc) =	sbr.rel @p0 .LBB2_1-.Ltmp1, $4  }
0x51: {  	[hbm:s9], [sflag:s6] =	dma.local [spmem:s11], $0x13C0  }
0x52: {  	_ =	swait.ge [sflag:s12], $0x13C0  }
0x53: {  	[sflag:s12] =	ssyncset.done $0x0  }
0x54: {  	[sflag:s12] =	ssyncadd.s32 $0xFFFFEC40  }
0x55: {  	_ =	sfence.sel $0x180000  }
0x56: {  	[bflag:$0x0] =	sbarrier.arrive $0xFFFF  }
0x57: {  	p0 =	sne.s32 s0, $0x0;
	_ =	strace $0x90000050  }
0x58: {  	s0 =	sadd.s32 @!p0 $0x100000, s1;
	[bflag:$0x2] =	sbarrier.arrive $0xFFFF  }
0x59: {  	[sflag:s0] =	ssyncadd.tile.s32 @!p0 $0x1;
	_ =	shalt  }
.Lfunc_end2:
_tile_overlayer_lowered:
.L_overlay_start_2:
0x5a: {  	(tag) =	ssettag $0x2  }
0x5b: {  	s0 =	rddreg [dreg:$0x0];
	s2 =	stileid.u32  }
0x5c: {  	s1 =	rddreg [dreg:$0x1];
	p0 =	sne.s32 s2, $0x0  }
0x5d: {  	s3 =	rddreg [dreg:$0x2];
	[bflag:$0x3] =	sbarrier.arrive $0xFFFF;
	s2 =	simm.s32 @!p0 $0x1C03  }
0x5e: {  	[timem:s3], [sflag:s2] =	dma.local @!p0 [hbm:s0], s1  }
0x5f: {  	s0 =	simm.s32 @!p0 $0x3  }
0x60: {  	_ =	swait.ge @!p0 [sflag:s0], s1  }
0x61: {  	s1 =	ssub.s32 @!p0 $0x0, s1;
	[sflag:s0] =	ssyncset.done @!p0 $0x0  }
0x62: {  	[sflag:s0] =	ssyncadd.s32 @!p0 s1  }
0x63: {  	[bflag:$0x3] =	sbarrier.arrive $0xFFFF  }
0x64: {  	_ =	shalt  }

// kernel: kernel.8.cloned.1.call-start
scs
__scs_entry_jumppad:
0x0: {  	(pc) =	sbr.rel $0x88, $3  }
0x1: {  	(tag) =	ssettag $0x0;
	lr =	simm.s32 $0x1  }
0x2: {  	[smem:$0x3F96] =	sst lr;
	_ =	strace $0xD0000000  }
0x3: {  	_ = 	snop  }
0x4: {  	_ = 	snop  }
0x5: {  	_ = 	snop  }
0x6: {  	_ = 	snop  }
0x7: {  	_ = 	snop  }
__scs_overlays_trampoline_lowered:
0x8: {  	[smem:$0x3FA5] =	sst s0  }
0x9: {  	[smem:$0x3FA6] =	sst s1  }
0xa: {  	[smem:$0x3FA7] =	sst s2  }
0xb: {  	[smem:$0x3FA8] =	sst s3  }
0xc: {  	[smem:$0x3FA9] =	sst s4  }
0xd: {  	[smem:$0x3FAA] =	sst s5  }
0xe: {  	[smem:$0x3FAB] =	sst s6  }
0xf: {  	[smem:$0x3FAC] =	sst s7  }
0x10: {  	[smem:$0x3FAD] =	sst s8  }
0x11: {  	[smem:$0x3FAE] =	sst s9;
	s0 =	simm.s32 @!p0 $0x0  }
0x12: {  	s1 =	sld [smem:$0x3F94];
	s0 =	simm.s32 @p0 $0x1  }
0x13: {  	[smem:$0x3FAF] =	sst s0;
	s0 =	simm.s32 @!p1 $0x0  }
0x14: {  	s2 =	sld [smem:$0x3F93];
	s0 =	simm.s32 @p1 $0x1  }
0x15: {  	[smem:$0x3FB0] =	sst s0;
	s0 =	simm.s32 @!p2 $0x0  }
0x16: {  	s3 =	sld [smem:$0x3FDB];
	s0 =	simm.s32 @p2 $0x1  }
0x17: {  	s4 =	simm.s32 $0x1BF5;
	[smem:$0x3FB2] =	sst s0  }
0x18: {  	s0 =	sld [smem:$0x3F95];
	_ =	swait.ge [sflag:s4], $0x0  }
0x19: {  	s7 =	sld [smem:$0x3F96]  }
0x1a: {  	s8 =	sadd.s32 $0xFFFFE003, lr  }
0x1b: {  	s9 =	sadd.s32 $0xFFFFFEF7, lr;
	s5 =	simm.s32 $0xFFFFFFFF;
	p2 =	slt.u32 s8, $0xFFFFF086  }
0x1c: {  	p1 =	slt.u32 s9, $0xF7A;
	s5 =	simm.s32 @!p2 $0x0  }
0x1d: {  	s5 =	simm.s32 @p1 $0x1;
	p0 =	seq.s32 s7, s2  }
0x1e: {  	s7 =	smul.u32 @!p0 $0xF7A, s2;
	p2 =	seq.s32 @!p0 s5, $0x0  }
0x1f: {  	s9 =	smul.u32 $0xF7A, s1;
	s8 =	simm.s32 @!p0 $0x1BF5;
	p2 =	por !p2, p0  }
0x20: {  	[sflag:s8] =	ssyncset.s32 @!p0 $0xFFFFF086;
	s6 =	sadd.s32 @!p0 s3, s7;
	s7 =	simm.s32 @!p0 $0x108  }
0x21: {  	s3 =	sadd.s32 s3, s9;
	s6 =	sadd.s32 @!p0 $0x88, s6;
	s7 =	simm.s32 @p2 $0x1082  }
0x22: {  	[simem:s7], [sflag:s8] =	dma.local @!p0 [hbm:s6], $0xF7A  }
0x23: {  	s9 =	sor.u32 $0xD0000000, s2;
	s6 =	simm.s32 $0x108;
	_ =	swait.ge @!p0 [sflag:s8], $0x0  }
0x24: {  	s3 =	sadd.s32 $0x88, s3;
	s6 =	simm.s32 @!p1 $0x1082;
	[sflag:s4] =	ssyncset.s32 $0xFFFFF086  }
0x25: {  	[simem:s6], [sflag:s4] =	dma.local [hbm:s3], $0xF7A  }
0x26: {  	[smem:$0x3F96] =	sst s1;
	(tag) =	ssettag s2;
	_ =	strace s9  }
0x27: {  	s1 =	sld [smem:$0x3FA6]  }
0x28: {  	s2 =	sld [smem:$0x3FA7]  }
0x29: {  	s4 =	sld [smem:$0x3FA9]  }
0x2a: {  	p0 =	seq.s32 s5, $0x0;
	s5 =	sld [smem:$0x3FAA]  }
0x2b: {  	s6 =	sld [smem:$0x3FAB]  }
0x2c: {  	s7 =	sld [smem:$0x3FAC]  }
0x2d: {  	s3 =	simm.s32 $0x108;
	s8 =	sld [smem:$0x3FAD]  }
0x2e: {  	s3 =	simm.s32 @!p0 $0x1082;
	s9 =	sld [smem:$0x3FAE]  }
0x2f: {  	lr =	sadd.s32 s0, s3;
	s0 =	sld [smem:$0x3FA5]  }
0x30: {  	s3 =	sld [smem:$0x3FA8]  }
0x31: {  	[smem:$0x3FB1] =	sst s10  }
0x32: {  	s10 =	sld [smem:$0x3FAF];
	_ =	sdelay $0x3  }
0x33: {  	p0 =	seq.s32 s10, $0x1;
	s10 =	sld [smem:$0x3FB1];
	_ =	sdelay $0x3  }
0x34: {  	[smem:$0x3FB1] =	sst s10  }
0x35: {  	s10 =	sld [smem:$0x3FB0];
	_ =	sdelay $0x3  }
0x36: {  	p1 =	seq.s32 s10, $0x1;
	s10 =	sld [smem:$0x3FB1];
	_ =	sdelay $0x3  }
0x37: {  	[smem:$0x3FB1] =	sst s10  }
0x38: {  	s10 =	sld [smem:$0x3FB2]  }
0x39: {  	_ = 	snop;
	(pc) =	sbr.ind lr, $3  }
0x3a: {  	_ = 	snop  }
0x3b: {  	_ = 	snop  }
0x3c: {  	p2 =	seq.s32 s10, $0x1;
	s10 =	sld [smem:$0x3FB1]  }
0x3d: {  	_ =	shalt  }
0x3e: {  	_ =	shalt  }
0x3f: {  	_ =	shalt  }
0x40: {  	_ =	shalt  }
0x41: {  	_ =	shalt  }
0x42: {  	_ =	shalt  }
0x43: {  	_ =	shalt  }
0x44: {  	_ =	shalt  }
0x45: {  	_ =	shalt  }
0x46: {  	_ =	shalt  }
0x47: {  	_ =	shalt  }
0x48: {  	_ =	shalt  }
0x49: {  	_ =	shalt  }
0x4a: {  	_ =	shalt  }
0x4b: {  	_ =	shalt  }
0x4c: {  	_ =	shalt  }
0x4d: {  	_ =	shalt  }
0x4e: {  	_ =	shalt  }
0x4f: {  	_ =	shalt  }
0x50: {  	_ =	shalt  }
0x51: {  	_ =	shalt  }
0x52: {  	_ =	shalt  }
0x53: {  	_ =	shalt  }
0x54: {  	_ =	shalt  }
0x55: {  	_ =	shalt  }
0x56: {  	_ =	shalt  }
0x57: {  	_ =	shalt  }
0x58: {  	_ =	shalt  }
0x59: {  	_ =	shalt  }
0x5a: {  	_ =	shalt  }
0x5b: {  	_ =	shalt  }
0x5c: {  	_ =	shalt  }
0x5d: {  	_ =	shalt  }
0x5e: {  	_ =	shalt  }
0x5f: {  	_ =	shalt  }
0x60: {  	_ =	shalt  }
0x61: {  	_ =	shalt  }
0x62: {  	_ =	shalt  }
0x63: {  	_ =	shalt  }
0x64: {  	_ =	shalt  }
0x65: {  	_ =	shalt  }
0x66: {  	_ =	shalt  }
0x67: {  	_ =	shalt  }
0x68: {  	_ =	shalt  }
0x69: {  	_ =	shalt  }
0x6a: {  	_ =	shalt  }
0x6b: {  	_ =	shalt  }
0x6c: {  	_ =	shalt  }
0x6d: {  	_ =	shalt  }
0x6e: {  	_ =	shalt  }
0x6f: {  	_ =	shalt  }
0x70: {  	_ =	shalt  }
0x71: {  	_ =	shalt  }
0x72: {  	_ =	shalt  }
0x73: {  	_ =	shalt  }
0x74: {  	_ =	shalt  }
0x75: {  	_ =	shalt  }
0x76: {  	_ =	shalt  }
0x77: {  	_ =	shalt  }
0x78: {  	_ =	shalt  }
0x79: {  	_ =	shalt  }
0x7a: {  	_ =	shalt  }
0x7b: {  	_ =	shalt  }
0x7c: {  	_ =	shalt  }
0x7d: {  	_ =	shalt  }
0x7e: {  	_ =	shalt  }
0x7f: {  	_ =	shalt  }
0x80: {  	_ =	shalt  }
0x81: {  	_ =	shalt  }
0x82: {  	_ =	shalt  }
0x83: {  	_ =	shalt  }
0x84: {  	_ =	shalt  }
0x85: {  	_ =	shalt  }
0x86: {  	_ =	shalt  }
0x87: {  	_ =	shalt  }
.Lfunc_end0:
.L_simem_size_0:
called_computation_lowered:
.L_overlay_start_0:
0x88: {  	s2 =	sld [smem:$0x3FD9]  }
0x89: {  	s3 =	sld [smem:$0x3FFE];
	_ =	sdelay $0x1  }
0x8a: {  	s1 =	srdreg.scid  }
0x8b: {  	s0 =	sand.u32 $0x1, s1  }
0x8c: {  	s17 =	sshll.u32 s0, $0xA;
	s2 =	sadd.s32 s3, s2  }
0x8d: {  	s2 =	sadd.s32 s2, s17  }
0x8e: {  	[smem:$0x3FBD] =	sst s2  }
0x8f: {  	_ = 	snop  }
0x90: {  	s18 =	sld [smem:$0x3FD0];
	(tm) =	ssettm $0x1  }
0x91: {  	s19 =	sld [smem:$0x3FFB];
	_ =	sdelay $0x3  }
0x92: {  	_ =	strace s19  }
0x93: {  	s2 =	sld [smem:$0x3FFC];
	_ =	sdelay $0x3  }
0x94: {  	_ =	strace s2  }
0x95: {  	s2 =	sld [smem:$0x3FFD];
	_ =	sdelay $0x3  }
0x96: {  	_ =	strace s2  }
0x97: {  	_ =	strace $0x8FFFFFFF  }
0x98: {  	s20 =	sld [smem:$0x3FDB];
	_ =	sdelay $0x1  }
0x99: {  	s4 =	simm.s32 $_scs_section_size  }
0x9a: {  	s5 =	simm.s32 $_size__tile_overlayer_lowered;
	s6 =	simm.s32 $_tile_overlayer_lowered  }
0x9b: {  	s7 =	simm.s32 $0x1BFF;
	s21 =	sshll.u32 s6, $0x1;
	s4 =	sadd.s32 s4, s20  }
0x9c: {  	s22 =	simm.s32 $0x0;
	s5 =	sshll.u32 s5, $0x1;
	s6 =	sadd.s32 s21, s4  }
0x9d: {  	[timem:s22], [sflag:s7] =	dma.local [hbm:s6], s5  }
0x9e: {  	_ =	swait.ge [sflag:s7], s5  }
0x9f: {  	s5 =	ssub.s32 $0x0, s5;
	[sflag:s7] =	ssyncset.done $0x0  }
0xa0: {  	[sflag:s7] =	ssyncadd.s32 s5;
	_ =	sdelay $0x1  }
0xa1: {  	s23 =	simm.s32 $0x1B8B  }
0xa2: {  	_ =	swait.ge [sflag:s23], $0x1  }
0xa3: {  	[sflag:s23] =	ssyncset.done $0x0  }
0xa4: {  	[sflag:s23] =	ssyncadd.s32 $0xFFFFFFFF  }
0xa5: {  	s5 =	sld [smem:$0x0]  }
0xa6: {  	s6 =	sand.u32 $0xFFFFFFFE, s1  }
0xa7: {  	p0 =	sne.s32 s1, s6  }
0xa8: {  	s6 =	sshll.u32 @p0 s6, $0xE  }
0xa9: {  	s6 =	sadd.s32 @p0 $0x11B8D, s6;
	s7 =	sshll.u32 @p0 s5, $0x11  }
0xaa: {  	s6 =	sor.u32 @p0 s7, s6  }
0xab: {  	[sflag:s6] =	ssyncadd.remote.s32 @p0 $0x1;
	_ =	sdelay $0x1  }
0xac: {  	s6 =	simm.s32 @p0 $0x1B8D  }
0xad: {  	_ =	swait.eq @p0 [sflag:s6], $0x1  }
0xae: {  	[sflag:s6] =	ssyncadd.s32 @p0 $0xFFFFFFFF  }
0xaf: {  	s7 =	sshll.u32 @!p0 s1, $0xE  }
0xb0: {  	s7 =	sor.u32 @!p0 $0x4000, s7;
	s6 =	simm.s32 @!p0 $0x1B8D  }
0xb1: {  	s5 =	sshll.u32 @!p0 s5, $0x11;
	s7 =	sadd.s32 @!p0 $0x11B8D, s7;
	_ =	swait.eq @!p0 [sflag:s6], $0x1  }
0xb2: {  	s5 =	sor.u32 @!p0 s5, s7;
	[sflag:s6] =	ssyncadd.s32 @!p0 $0xFFFFFFFF  }
0xb3: {  	s25 =	simm.s32 $0x1B8E;
	s24 =	sld [smem:$0x3FFE];
	[sflag:s5] =	ssyncadd.remote.s32 @!p0 $0x1  }
0xb4: {  	s26 =	simm.s32 $execute0_lowered;
	[smem:$0x3FD2] =	sst s25  }
0xb5: {  	s6 =	sshll.u32 s26, $0x1;
	_ =	strace $0x80000049;
	[dreg:$0x1] =	wrdreg $0xFFFFFFFF  }
0xb6: {  	s28 =	simm.s32 $_size_execute0_lowered;
	s4 =	sadd.s32 s4, s6;
	[dreg:$0x0] =	wrdreg $0x0  }
0xb7: {  	s6 =	sshll.u32 s28, $0x1;
	[dreg:$0x2] =	wrdreg s4  }
0xb8: {  	[dreg:$0x3] =	wrdreg s6  }
0xb9: {  	[dreg:$0x4] =	wrdreg $0xC0  }
0xba: {  	_ =	task [dreg:s22], $0x5FFFF  }
0xbb: {  	[dreg:$0x1] =	wrdreg $0xFFFFFFFF  }
0xbc: {  	[dreg:$0x0] =	wrdreg $0x60  }
0xbd: {  	[dreg:$0x2] =	wrdreg s18  }
0xbe: {  	[dreg:$0x3] =	wrdreg s24  }
0xbf: {  	[dreg:$0x4] =	wrdreg $0x90000  }
0xc0: {  	[dreg:$0x5] =	wrdreg $0x9  }
0xc1: {  	_ =	task.clear_ibuf [dreg:s22], $0x6FFFF;
	_ =	strace $0x90000049  }
0xc2: {  	s29 =	simm.s32 $0x9;
	_ =	strace $0x8000004B  }
0xc3: {  	_ =	swait.ge [sflag:s29], $0x1  }
0xc4: {  	[sflag:s29] =	ssyncadd.s32 $0xFFFFFFFF  }
0xc5: {  	_ =	strace $0x9000004B  }
0xc6: {  	_ =	sfence  }
0xc7: {  	s30 =	sld [smem:$0x0];
	_ =	sdelay $0x2  }
0xc8: {  	s31 =	sshll.u32 s1, $0xD;
	s1 =	sshrl.u32 s1, $0x2  }
0xc9: {  	s4 =	sand.u32 $0x4000, s31;
	s1 =	sadd.s32 s1, s30  }
0xca: {  	s0 =	sor.u32 s4, s0;
	s1 =	sshll.u32 s1, $0x11  }
0xcb: {  	s0 =	sor.u32 s1, s0  }
0xcc: {  	s0 =	sadd.s32 $0x8F2B, s0  }
0xcd: {  	[sflag:s0] =	ssyncadd.remote.s32 $0x1  }
0xce: {  	_ =	sfence.sel $0xFFFF  }
0xcf: {  	[dreg:$0x0] =	wrdreg $0xFFFFFFFF;
	(pc) =	sbr.abs _section_cstart, $3  }
0xd0: {  	[dreg:$0x1] =	wrdreg $0xFFFFFFFF  }
0xd1: {  	_ =	task.clear_ibuf [dreg:s22], $0x2FFFF;
	_ =	strace $0x9FFFFFFF  }
0xd2: {  	(tm) =	ssettm $0x7FFFFFFF  }
0xd3: {  	_ =	shalt  }
tec
execute0_lowered:
.L_overlay_start_1:
0x0: {  	(tag) =	ssettag $0x1  }
0x1: {  	s1 =	rddreg [dreg:$0x0]  }
0x2: {  	s2 =	srdreg.scid;
	s6 =	rddreg [dreg:$0x1]  }
0x3: {  	s0 =	stileid.u32;
	s3 =	rddreg [dreg:$0x2]  }
0x4: {  	s4 =	simm.s32 $0x0;
	s15 =	simm.s32 $0x5000;
	s16 =	simm.s32 $0x7000  }
0x5: {  	s17 =	simm.s32 $0x1;
	s18 =	simm.s32 $0x2;
	s19 =	simm.s32 $0x4F00  }
0x6: {  	s20 =	simm.s32 $0x4F80;
	s21 =	simm.s32 $0x0;
	s5 =	smul.u32 $0x2800, s0  }
0x7: {  	s7 =	sand.u32 $0x1, s2;
	s2 =	rddreg [dreg:$0x3];
	s9 =	smul.u32 $0x9E00, s0  }
0x8: {  	[smem:$0x7FF] =	sst s4;
	s12 =	sshll.u32 s0, $0x6;
	s8 =	smul.u32 $0x28000, s7  }
0x9: {  	s10 =	smul.u32 $0x9E000, s7;
	_ =	strace $0x8000004A;
	s7 =	ssub.s32 $0x2, s7  }
0xa: {  	s31 =	sshrl.u32 s7, $0x1;
	s14 =	sadd.s32 s9, s3;
	s8 =	sadd.s32 s5, s8  }
0xb: {  	s5 =	sshrl.u32 s5, $0x3;
	s10 =	sadd.s32 s9, s10;
	s13 =	ssub.s32 s7, s31  }
0xc: {  	s8 =	sshrl.u32 s8, $0x3;
	s11 =	sadd.s32 s5, s6;
	s10 =	sshrl.u32 s10, $0x3  }
0xd: {  	s5 =	sadd.s32 $0x27400, s6;
	s8 =	sadd.s32 s8, s6;
	s10 =	sadd.s32 s10, s6  }
0xe: {  	s6 =	sor.u32 $0x1C03, s12;
	s12 =	simm.s32 $0x3;
	s7 =	sadd.s32 $0x1D400, s8  }
0xf: {  	s8 =	sadd.s32 $0xE400, s11;
	s9 =	sadd.s32 $0x50000, s10;
	s10 =	smax.u32 s13, $0x1  }
0x10: {  	s11 =	sshrl.u32 s14, $0x3;
	s13 =	simm.s32 $0x2800;
	s14 =	simm.s32 $0x80  }
.LBB2_1:
0x11: {  	[spmem:s11], [sflag:s6] =	dma.local [hbm:s5], $0x13C0  }
0x12: {  	_ =	swait.ge [sflag:s12], $0x13C0  }
0x13: {  	[sflag:s12] =	ssyncset.done $0x0  }
0x14: {  	[sflag:s12] =	ssyncadd.s32 $0xFFFFEC40  }
0x15: {  	[tilespmem:s4], [sflag:$0x3] =	stream.linear.gather [hbm4b:s7+s4], $0x2800, $0x38;
	[tilespmem:$0x12E00] =	vst v63  }
0x16: {  	_ =	swait.ge [sflag:s12], $0x2800  }
0x17: {  	[sflag:s12] =	ssyncset.done $0x0  }
0x18: {  	[sflag:s12] =	ssyncadd.s32 $0xFFFFD800  }
0x19: {  	[tilespmem:s13], [sflag:$0x3] =	stream.linear.gather [hbm4b:s8+s4], $0x2800, $0x38;
	[tilespmem:$0x12E00] =	vst v63  }
0x1a: {  	_ =	swait.ge [sflag:s12], $0x2800  }
0x1b: {  	[sflag:s12] =	ssyncset.done $0x0  }
0x1c: {  	[sflag:s12] =	ssyncadd.s32 $0xFFFFD800  }
0x1d: {  	[bflag:$0x0] =	sbarrier.arrive $0xFFFF  }
0x1e: {  	[tilespmem:s15], [sflag:$0x1] =	stream.indirect.gather [hbm4b:s1+s14], $0x40, s4, s14, $0xb8;
	[tilespmem:$0x12E00] =	vst v63  }
0x1f: {  	_ = 	snop  }
0x20: {  	[tilespmem:s16], [sflag:$0x2] =	stream.indirect.gather [hbm4b:s1+s14], $0x40, s14, s14, $0xb8;
	[tilespmem:$0x12E00] =	vst v63  }
0x21: {  	_ =	swait.ge [sflag:s17], $0x2000  }
0x22: {  	[sflag:s17] =	ssyncset.done $0x0  }
0x23: {  	s22 =	simm.s32 $0x2800;
	[sflag:s17] =	ssyncadd.s32 $0xFFFFE000  }
0x24: {  	[spmem:s3] =	stream.indirect.scatter.add.f32 [tilespmem:s15], [sflag:$0x3], $0x40, s22, s14, $0xb8;
	[tilespmem:$0x12E00] =	vst v63  }
0x25: {  	_ =	swait.ge [sflag:s12], $0x2000  }
0x26: {  	[sflag:s12] =	ssyncset.done $0x0  }
0x27: {  	s30 =	simm.s32 $0x100;
	[sflag:s12] =	ssyncadd.s32 $0xFFFFE000  }
0x28: {  	[tilespmem:s15], [sflag:$0x1] =	stream.indirect.gather [hbm4b:s1+s14], $0x40, s30, s14, $0xb8;
	[tilespmem:$0x12E00] =	vst v63  }
0x29: {  	_ =	swait.ge [sflag:s18], $0x2000  }
0x2a: {  	[sflag:s18] =	ssyncset.done $0x0  }
0x2b: {  	s31 =	simm.s32 $0x2880;
	[sflag:s18] =	ssyncadd.s32 $0xFFFFE000  }
0x2c: {  	[spmem:s3] =	stream.indirect.scatter.add.f32 [tilespmem:s16], [sflag:$0x3], $0x40, s31, s14, $0xb8;
	[tilespmem:$0x12E00] =	vst v63  }
0x2d: {  	_ =	swait.ge [sflag:s12], $0x2000  }
0x2e: {  	[sflag:s12] =	ssyncset.done $0x0  }
0x2f: {  	s23 =	simm.s32 $0x180;
	s22 =	simm.s32 $0x400;
	[sflag:s12] =	ssyncadd.s32 $0xFFFFE000  }
.LBB2_2:
0x30: {  	[tilespmem:s16], [sflag:$0x2] =	stream.indirect.gather [hbm4b:s1+s14], $0x40, s23, s14, $0xb8;
	[tilespmem:$0x12E00] =	vst v63  }
0x31: {  	s23 =	smov.u32 s22  }
0x32: {  	p0 =	sne.s32 s22, $0x9800;
	s22 =	sadd.s32 $0x400, s22;
	_ =	swait.ge [sflag:s17], $0x2000  }
0x33: {  	s23 =	sshra.s32 s23, $0x2;
	[sflag:s17] =	ssyncset.done $0x0  }
0x34: {  	s24 =	sadd.s32 $0x2800, s23;
	[sflag:s17] =	ssyncadd.s32 $0xFFFFE000  }
0x35: {  	[spmem:s3] =	stream.indirect.scatter.add.f32 [tilespmem:s15], [sflag:$0x3], $0x40, s24, s14, $0xb8;
	[tilespmem:$0x12E00] =	vst v63  }
0x36: {  	_ =	swait.ge [sflag:s12], $0x2000  }
0x37: {  	[sflag:s12] =	ssyncset.done $0x0  }
0x38: {  	s24 =	sadd.s32 $0x100, s23;
	[sflag:s12] =	ssyncadd.s32 $0xFFFFE000  }
0x39: {  	[tilespmem:s15], [sflag:$0x1] =	stream.indirect.gather [hbm4b:s1+s14], $0x40, s24, s14, $0xb8;
	[tilespmem:$0x12E00] =	vst v63  }
0x3a: {  	_ =	swait.ge [sflag:s18], $0x2000  }
0x3b: {  	[sflag:s18] =	ssyncset.done $0x0  }
.Ltmp0:
0x3c: {  	s24 =	sadd.s32 $0x2880, s23;
	[sflag:s18] =	ssyncadd.s32 $0xFFFFE000;
	(pc) =	sbr.rel @p0 .LBB2_2-.Ltmp0, $4  }
0x3d: {  	[spmem:s3] =	stream.indirect.scatter.add.f32 [tilespmem:s16], [sflag:$0x3], $0x40, s24, s14, $0xb8;
	[tilespmem:$0x12E00] =	vst v63  }
0x3e: {  	_ =	swait.ge [sflag:s12], $0x2000  }
0x3f: {  	[sflag:s12] =	ssyncset.done $0x0  }
0x40: {  	s23 =	sadd.s32 $0x180, s23;
	[sflag:s12] =	ssyncadd.s32 $0xFFFFE000  }
0x41: {  	[tilespmem:s16], [sflag:$0x2] =	stream.indirect.gather [hbm4b:s1+s14], $0x40, s23, s14, $0xb8;
	[tilespmem:$0x12E00] =	vst v63  }
0x42: {  	_ =	swait.ge [sflag:s17], $0x2000  }
0x43: {  	[sflag:s17] =	ssyncset.done $0x0  }
0x44: {  	[sflag:s17] =	ssyncadd.s32 $0xFFFFE000  }
0x45: {  	[spmem:s3] =	stream.indirect.scatter.add.f32 [tilespmem:s15], [sflag:$0x3], $0x40, s19, s14, $0xb8;
	[tilespmem:$0x12E00] =	vst v63  }
0x46: {  	_ =	swait.ge [sflag:s12], $0x2000  }
0x47: {  	[sflag:s12] =	ssyncset.done $0x0  }
0x48: {  	[sflag:s12] =	ssyncadd.s32 $0xFFFFE000  }
0x49: {  	_ =	swait.ge [sflag:s18], $0x2000  }
0x4a: {  	[sflag:s18] =	ssyncset.done $0x0  }
0x4b: {  	[sflag:s18] =	ssyncadd.s32 $0xFFFFE000  }
0x4c: {  	[spmem:s3] =	stream.indirect.scatter.add.f32 [tilespmem:s16], [sflag:$0x3], $0x40, s20, s14, $0xb8;
	[tilespmem:$0x12E00] =	vst v63  }
0x4d: {  	_ =	swait.ge [sflag:s12], $0x2000  }
0x4e: {  	s21 =	sadd.s32 $0x1, s21;
	[sflag:s12] =	ssyncset.done $0x0  }
0x4f: {  	p0 =	sne.s32 s21, s10;
	[sflag:s12] =	ssyncadd.s32 $0xFFFFE000  }
.Ltmp1:
0x50: {  	[bflag:$0x0] =	sbarrier.arrive $0xFFFF;
	(pc) =	sbr.rel @p0 .LBB2_1-.Ltmp1, $4  }
0x51: {  	[hbm:s9], [sflag:s6] =	dma.local [spmem:s11], $0x13C0  }
0x52: {  	_ =	swait.ge [sflag:s12], $0x13C0  }
0x53: {  	[sflag:s12] =	ssyncset.done $0x0  }
0x54: {  	[sflag:s12] =	ssyncadd.s32 $0xFFFFEC40  }
0x55: {  	_ =	sfence.sel $0x180000  }
0x56: {  	[bflag:$0x0] =	sbarrier.arrive $0xFFFF  }
0x57: {  	p0 =	sne.s32 s0, $0x0;
	_ =	strace $0x9000004A  }
0x58: {  	s0 =	sadd.s32 @!p0 $0x100000, s2;
	[bflag:$0x2] =	sbarrier.arrive $0xFFFF  }
0x59: {  	[sflag:s0] =	ssyncadd.tile.s32 @!p0 $0x1;
	_ =	shalt  }
.Lfunc_end2:
_tile_overlayer_lowered:
.L_overlay_start_2:
0x5a: {  	(tag) =	ssettag $0x2  }
0x5b: {  	s0 =	rddreg [dreg:$0x0];
	s2 =	stileid.u32  }
0x5c: {  	s1 =	rddreg [dreg:$0x1];
	p0 =	sne.s32 s2, $0x0  }
0x5d: {  	s3 =	rddreg [dreg:$0x2];
	[bflag:$0x3] =	sbarrier.arrive $0xFFFF;
	s2 =	simm.s32 @!p0 $0x1C03  }
0x5e: {  	[timem:s3], [sflag:s2] =	dma.local @!p0 [hbm:s0], s1  }
0x5f: {  	s0 =	simm.s32 @!p0 $0x3  }
0x60: {  	_ =	swait.ge @!p0 [sflag:s0], s1  }
0x61: {  	s1 =	ssub.s32 @!p0 $0x0, s1;
	[sflag:s0] =	ssyncset.done @!p0 $0x0  }
0x62: {  	[sflag:s0] =	ssyncadd.s32 @!p0 s1  }
0x63: {  	[bflag:$0x3] =	sbarrier.arrive $0xFFFF  }
0x64: {  	_ =	shalt  }

</sc_bundles>
